<compile_context>
chip_gen: v7x
topology: tpu7x:2x2x1
jax: 0.10.2.dev20260603
libtpu: 0.0.44.dev20260713+nightly
codegen_flags: <defaults>
</compile_context>

<pallas_src>
import functools

import jax
import jax.numpy as jnp
from jax import lax
from jax.experimental import pallas as pl
from jax.experimental.pallas import tpu as pltpu
from jax.experimental.pallas import tpu_sc as plsc

VOCAB = 1000000
DIM = 64
BATCH = 16384
HIST = 50

NW = 32
C = 128
B = BATCH * HIST
CPW = B // (NW * C)
NB = 4


def _emb_body(x_hbm, tab_hbm, out_hbm, idx_v, b0, b1, b2, b3,
              g0, g1, g2, g3, s0, s1, s2, s3):
    bufs = (b0, b1, b2, b3)
    gsems = (g0, g1, g2, g3)
    ssems = (s0, s1, s2, s3)
    wid = lax.axis_index("c") * 16 + lax.axis_index("s")
    base = wid * CPW

    pltpu.sync_copy(x_hbm.at[pl.ds(base, CPW)], idx_v)

    def start_g(j, b):
        pltpu.make_async_copy(
            tab_hbm.at[idx_v.at[j]], bufs[b], gsems[b]).start()

    def wait_g(j, b):
        pltpu.make_async_copy(
            tab_hbm.at[idx_v.at[j]], bufs[b], gsems[b]).wait()

    def start_s(j, b):
        pltpu.make_async_copy(bufs[b], out_hbm.at[base + j], ssems[b]).start()

    def wait_s(j, b):
        pltpu.make_async_copy(bufs[b], out_hbm.at[base + j], ssems[b]).wait()

    for b in range(NB):
        start_g(b, b)

    def body(i, carry):
        g = i * NB
        for b in range(NB):
            wait_g(g + b, b)
            start_s(g + b, b)
        for b in range(NB):
            wait_s(g + b, b)
            start_g(g + NB + b, b)
        return carry

    lax.fori_loop(0, CPW // NB - 1, body, 0)

    g = CPW - NB
    for b in range(NB):
        wait_g(g + b, b)
        start_s(g + b, b)
    for b in range(NB):
        wait_s(g + b, b)


@functools.partial(jax.jit, static_argnums=())
def _embed(x2d, table):
    mesh = plsc.VectorSubcoreMesh(core_axis_name="c", subcore_axis_name="s")
    f = functools.partial(
        pl.kernel,
        mesh=mesh,
        out_type=jax.ShapeDtypeStruct((B // C, C, DIM), jnp.float32),
        scratch_types=(
            [pltpu.VMEM((CPW, C), jnp.int32)]
            + [pltpu.VMEM((C, DIM), jnp.float32) for _ in range(NB)]
            + [pltpu.SemaphoreType.DMA for _ in range(2 * NB)]
        ),
        compiler_params=pltpu.CompilerParams(use_tc_tiling_on_sc=False),
    )(_emb_body)
    return f(x2d, table)


def kernel(x, W_in, W_out):
    x2d = x.reshape(B // C, C).astype(jnp.int32)
    out = _embed(x2d, W_in)
    return out.reshape(BATCH, HIST, DIM)

# --- scband reference (transcript-rebuilt; emitter-appended) ---
"""Pipeline reference for scband-word2vec-11519102288130 (READ-ONLY COPY).

The authoritative reference and input builder live on the scoring server;
editing this copy changes nothing except your own understanding.
"""

import jax, jax.numpy as jnp
import numpy as np

VOCAB = 1000000
DIM = 64
BATCH = 16384
HIST = 50

def setup_inputs(seed: int = 0) -> dict:
    key = jax.random.key(seed)
    k1, k2, k3 = jax.random.split(key, 3)
    x = jax.random.randint(k1, (BATCH, HIST), 0, VOCAB, dtype=jnp.int64 if jax.config.jax_enable_x64 else jnp.int32)
    W_in = jax.random.normal(k2, (VOCAB, DIM), dtype=jnp.float32)
    W_out = jax.random.normal(k3, (VOCAB, DIM), dtype=jnp.float32)
    return {"x": x, "W_in": W_in, "W_out": W_out}

def reference(x, W_in, W_out):
    # forward_i: embedding_in lookup (primary forward path of the module)
    embedds = jnp.take(W_in, x, axis=0)
    return embedds

if __name__ == "__main__":
    import jax
    _d = setup_inputs()
    print(jax.jit(kernel)(*tuple(_d.values())))

</pallas_src>

<mosaic_0001>
#map = affine_map<(d0, d1) -> (0, 0)>
#map1 = affine_map<(d0, d1) -> (0, 0, 0)>
module attributes {stable_mosaic.version = 14 : i64} {
  func.func @_emb_body(%arg0: i32, %arg1: i32, %arg2: memref<6400x128xi32, #tpu.memory_space<hbm>>, %arg3: memref<1000000x64xf32, #tpu.memory_space<hbm>>, %arg4: memref<6400x128x64xf32, #tpu.memory_space<hbm>>, %arg5: memref<200x128xi32, #tpu.memory_space<vmem>>, %arg6: memref<128x64xf32, #tpu.memory_space<vmem>>, %arg7: memref<128x64xf32, #tpu.memory_space<vmem>>, %arg8: memref<128x64xf32, #tpu.memory_space<vmem>>, %arg9: memref<128x64xf32, #tpu.memory_space<vmem>>, %arg10: memref<!tpu.dma_semaphore, #tpu.memory_space<semaphore_mem>>, %arg11: memref<!tpu.dma_semaphore, #tpu.memory_space<semaphore_mem>>, %arg12: memref<!tpu.dma_semaphore, #tpu.memory_space<semaphore_mem>>, %arg13: memref<!tpu.dma_semaphore, #tpu.memory_space<semaphore_mem>>, %arg14: memref<!tpu.dma_semaphore, #tpu.memory_space<semaphore_mem>>, %arg15: memref<!tpu.dma_semaphore, #tpu.memory_space<semaphore_mem>>, %arg16: memref<!tpu.dma_semaphore, #tpu.memory_space<semaphore_mem>>, %arg17: memref<!tpu.dma_semaphore, #tpu.memory_space<semaphore_mem>>) attributes {dimension_semantics = [#tpu.dimension_semantics<core_parallel>, #tpu.dimension_semantics<subcore_parallel>], iteration_bounds = array<i64: 2, 16>, scalar_prefetch = 0 : i64, scratch_operands = 13 : i64, tpu.core_type = #tpu.core_type<sc_vector_subcore>, window_params = [{transform_indices = #map}, {transform_indices = #map}, {transform_indices = #map1}]} {
    %mul3A = arith.constant 16 : i32
    %mul3A_0 = arith.muli %arg0, %mul3A : i32
    %add3A = arith.addi %mul3A_0, %arg1 : i32
    %mul3A_1 = arith.constant 200 : i32
    %mul3A_2 = arith.muli %add3A, %mul3A_1 : i32
    "tpu.region"() ({
      %run_scoped3A = tpu.sem_alloc : memref<!tpu.dma_semaphore, #tpu.memory_space<semaphore_mem>>
      %dma_start3A_142 = arith.constant 0 : i32
      %dma_start3A_143 = tpu.memref_slice %arg2[%mul3A_2, %dma_start3A_142] : memref<6400x128xi32, #tpu.memory_space<hbm>> -> memref<200x128xi32, #tpu.memory_space<hbm>>
      %dma_start3A_144 = arith.constant 0 : i32
      %dma_start3A_145 = tpu.memref_slice %arg2[%mul3A_2, %dma_start3A_144] : memref<6400x128xi32, #tpu.memory_space<hbm>> -> memref<200x128xi32, #tpu.memory_space<hbm>>
      tpu.enqueue_dma source(%dma_start3A_145 : memref<200x128xi32, #tpu.memory_space<hbm>>) target(%arg5 : memref<200x128xi32, #tpu.memory_space<vmem>>) target_semaphore(%run_scoped3A : memref<!tpu.dma_semaphore, #tpu.memory_space<semaphore_mem>>)
      %dma_wait3A_146 = arith.constant 0 : i32
      %dma_wait3A_147 = tpu.memref_slice %arg2[%mul3A_2, %dma_wait3A_146] : memref<6400x128xi32, #tpu.memory_space<hbm>> -> memref<200x128xi32, #tpu.memory_space<hbm>>
      %dma_wait3A_148 = arith.constant 0 : i32
      %dma_wait3A_149 = tpu.memref_slice %arg2[%mul3A_2, %dma_wait3A_148] : memref<6400x128xi32, #tpu.memory_space<hbm>> -> memref<200x128xi32, #tpu.memory_space<hbm>>
      tpu.wait_dma2 semaphore(%run_scoped3A : memref<!tpu.dma_semaphore, #tpu.memory_space<semaphore_mem>>) src(%dma_wait3A_149 : memref<200x128xi32, #tpu.memory_space<hbm>>) dst(%arg5 : memref<200x128xi32, #tpu.memory_space<vmem>>)
      tpu.yield
    }) : () -> ()
    %dma_start3A = arith.constant 0 : i32
    %dma_start3A_3 = arith.constant 0 : i32
    %dma_start3A_4 = tpu.memref_slice %arg5[%dma_start3A, %dma_start3A_3] : memref<200x128xi32, #tpu.memory_space<vmem>> -> memref<1x128xi32, #tpu.memory_space<vmem>>
    %dma_start3A_5 = tpu.memref_squeeze %dma_start3A_4 : memref<1x128xi32, #tpu.memory_space<vmem>> -> memref<128xi32, #tpu.memory_space<vmem>>
    %dma_start3A_6 = arith.constant 0 : i32
    %dma_start3A_7 = arith.constant 0 : i32
    %dma_start3A_8 = tpu.memref_slice %arg3[%dma_start3A_6, %dma_start3A_7] : memref<1000000x64xf32, #tpu.memory_space<hbm>> -> memref<1000000x64xf32, #tpu.memory_space<hbm>>
    tpu.enqueue_indirect_dma source(%dma_start3A_8 : memref<1000000x64xf32, #tpu.memory_space<hbm>>) target(%arg6 : memref<128x64xf32, #tpu.memory_space<vmem>>) offsets(%dma_start3A_5 : memref<128xi32, #tpu.memory_space<vmem>>) semaphore(%arg10 : memref<!tpu.dma_semaphore, #tpu.memory_space<semaphore_mem>>)
    %dma_start3A_9 = arith.constant 1 : i32
    %dma_start3A_10 = arith.constant 0 : i32
    %dma_start3A_11 = tpu.memref_slice %arg5[%dma_start3A_9, %dma_start3A_10] : memref<200x128xi32, #tpu.memory_space<vmem>> -> memref<1x128xi32, #tpu.memory_space<vmem>>
    %dma_start3A_12 = tpu.memref_squeeze %dma_start3A_11 : memref<1x128xi32, #tpu.memory_space<vmem>> -> memref<128xi32, #tpu.memory_space<vmem>>
    %dma_start3A_13 = arith.constant 0 : i32
    %dma_start3A_14 = arith.constant 0 : i32
    %dma_start3A_15 = tpu.memref_slice %arg3[%dma_start3A_13, %dma_start3A_14] : memref<1000000x64xf32, #tpu.memory_space<hbm>> -> memref<1000000x64xf32, #tpu.memory_space<hbm>>
    tpu.enqueue_indirect_dma source(%dma_start3A_15 : memref<1000000x64xf32, #tpu.memory_space<hbm>>) target(%arg7 : memref<128x64xf32, #tpu.memory_space<vmem>>) offsets(%dma_start3A_12 : memref<128xi32, #tpu.memory_space<vmem>>) semaphore(%arg11 : memref<!tpu.dma_semaphore, #tpu.memory_space<semaphore_mem>>)
    %dma_start3A_16 = arith.constant 2 : i32
    %dma_start3A_17 = arith.constant 0 : i32
    %dma_start3A_18 = tpu.memref_slice %arg5[%dma_start3A_16, %dma_start3A_17] : memref<200x128xi32, #tpu.memory_space<vmem>> -> memref<1x128xi32, #tpu.memory_space<vmem>>
    %dma_start3A_19 = tpu.memref_squeeze %dma_start3A_18 : memref<1x128xi32, #tpu.memory_space<vmem>> -> memref<128xi32, #tpu.memory_space<vmem>>
    %dma_start3A_20 = arith.constant 0 : i32
    %dma_start3A_21 = arith.constant 0 : i32
    %dma_start3A_22 = tpu.memref_slice %arg3[%dma_start3A_20, %dma_start3A_21] : memref<1000000x64xf32, #tpu.memory_space<hbm>> -> memref<1000000x64xf32, #tpu.memory_space<hbm>>
    tpu.enqueue_indirect_dma source(%dma_start3A_22 : memref<1000000x64xf32, #tpu.memory_space<hbm>>) target(%arg8 : memref<128x64xf32, #tpu.memory_space<vmem>>) offsets(%dma_start3A_19 : memref<128xi32, #tpu.memory_space<vmem>>) semaphore(%arg12 : memref<!tpu.dma_semaphore, #tpu.memory_space<semaphore_mem>>)
    %dma_start3A_23 = arith.constant 3 : i32
    %dma_start3A_24 = arith.constant 0 : i32
    %dma_start3A_25 = tpu.memref_slice %arg5[%dma_start3A_23, %dma_start3A_24] : memref<200x128xi32, #tpu.memory_space<vmem>> -> memref<1x128xi32, #tpu.memory_space<vmem>>
    %dma_start3A_26 = tpu.memref_squeeze %dma_start3A_25 : memref<1x128xi32, #tpu.memory_space<vmem>> -> memref<128xi32, #tpu.memory_space<vmem>>
    %dma_start3A_27 = arith.constant 0 : i32
    %dma_start3A_28 = arith.constant 0 : i32
    %dma_start3A_29 = tpu.memref_slice %arg3[%dma_start3A_27, %dma_start3A_28] : memref<1000000x64xf32, #tpu.memory_space<hbm>> -> memref<1000000x64xf32, #tpu.memory_space<hbm>>
    tpu.enqueue_indirect_dma source(%dma_start3A_29 : memref<1000000x64xf32, #tpu.memory_space<hbm>>) target(%arg9 : memref<128x64xf32, #tpu.memory_space<vmem>>) offsets(%dma_start3A_26 : memref<128xi32, #tpu.memory_space<vmem>>) semaphore(%arg13 : memref<!tpu.dma_semaphore, #tpu.memory_space<semaphore_mem>>)
    %scan3A = arith.constant 0 : i32
    %scan3A_30 = arith.constant 0 : i32
    %scan3A_31 = arith.constant 49 : i32
    %scan3A_32 = arith.addi %scan3A_30, %scan3A_31 : i32
    %scan3A_33 = arith.constant 1 : i32
    scf.for %scan3A_142 = %scan3A_30 to %scan3A_32 step %scan3A_33  : i32 {
      %mul3A_143 = arith.constant 4 : i32
      %mul3A_144 = arith.muli %scan3A_142, %mul3A_143 : i32
      %add3A_145 = arith.constant 0 : i32
      %add3A_146 = arith.addi %mul3A_144, %add3A_145 : i32
      %dma_wait3A_147 = arith.constant 0 : i32
      %dma_wait3A_148 = tpu.memref_slice %arg5[%add3A_146, %dma_wait3A_147] : memref<200x128xi32, #tpu.memory_space<vmem>> -> memref<1x128xi32, #tpu.memory_space<vmem>>
      %dma_wait3A_149 = tpu.memref_squeeze %dma_wait3A_148 : memref<1x128xi32, #tpu.memory_space<vmem>> -> memref<128xi32, #tpu.memory_space<vmem>>
      %dma_wait3A_150 = arith.constant 0 : i32
      %dma_wait3A_151 = arith.constant 0 : i32
      %dma_wait3A_152 = tpu.memref_slice %arg3[%dma_wait3A_150, %dma_wait3A_151] : memref<1000000x64xf32, #tpu.memory_space<hbm>> -> memref<1000000x64xf32, #tpu.memory_space<hbm>>
      tpu.wait_indirect_dma semaphore(%arg10 : memref<!tpu.dma_semaphore, #tpu.memory_space<semaphore_mem>>) src(%dma_wait3A_152 : memref<1000000x64xf32, #tpu.memory_space<hbm>>) dst(%arg6 : memref<128x64xf32, #tpu.memory_space<vmem>>)
      %add3A_153 = arith.constant 0 : i32
      %add3A_154 = arith.addi %mul3A_144, %add3A_153 : i32
      %add3A_155 = arith.addi %mul3A_2, %add3A_154 : i32
      %dma_start3A_156 = arith.constant 0 : i32
      %dma_start3A_157 = arith.constant 0 : i32
      %dma_start3A_158 = tpu.memref_slice %arg4[%add3A_155, %dma_start3A_156, %dma_start3A_157] : memref<6400x128x64xf32, #tpu.memory_space<hbm>> -> memref<1x128x64xf32, #tpu.memory_space<hbm>>
      %dma_start3A_159 = tpu.memref_squeeze %dma_start3A_158 : memref<1x128x64xf32, #tpu.memory_space<hbm>> -> memref<128x64xf32, #tpu.memory_space<hbm>>
      %dma_start3A_160 = arith.constant 0 : i32
      %dma_start3A_161 = arith.constant 0 : i32
      %dma_start3A_162 = tpu.memref_slice %arg4[%add3A_155, %dma_start3A_160, %dma_start3A_161] : memref<6400x128x64xf32, #tpu.memory_space<hbm>> -> memref<1x128x64xf32, #tpu.memory_space<hbm>>
      %dma_start3A_163 = tpu.memref_squeeze %dma_start3A_162 : memref<1x128x64xf32, #tpu.memory_space<hbm>> -> memref<128x64xf32, #tpu.memory_space<hbm>>
      tpu.enqueue_dma source(%arg6 : memref<128x64xf32, #tpu.memory_space<vmem>>) target(%dma_start3A_163 : memref<128x64xf32, #tpu.memory_space<hbm>>) target_semaphore(%arg14 : memref<!tpu.dma_semaphore, #tpu.memory_space<semaphore_mem>>)
      %add3A_164 = arith.constant 1 : i32
      %add3A_165 = arith.addi %mul3A_144, %add3A_164 : i32
      %dma_wait3A_166 = arith.constant 0 : i32
      %dma_wait3A_167 = tpu.memref_slice %arg5[%add3A_165, %dma_wait3A_166] : memref<200x128xi32, #tpu.memory_space<vmem>> -> memref<1x128xi32, #tpu.memory_space<vmem>>
      %dma_wait3A_168 = tpu.memref_squeeze %dma_wait3A_167 : memref<1x128xi32, #tpu.memory_space<vmem>> -> memref<128xi32, #tpu.memory_space<vmem>>
      %dma_wait3A_169 = arith.constant 0 : i32
      %dma_wait3A_170 = arith.constant 0 : i32
      %dma_wait3A_171 = tpu.memref_slice %arg3[%dma_wait3A_169, %dma_wait3A_170] : memref<1000000x64xf32, #tpu.memory_space<hbm>> -> memref<1000000x64xf32, #tpu.memory_space<hbm>>
      tpu.wait_indirect_dma semaphore(%arg11 : memref<!tpu.dma_semaphore, #tpu.memory_space<semaphore_mem>>) src(%dma_wait3A_171 : memref<1000000x64xf32, #tpu.memory_space<hbm>>) dst(%arg7 : memref<128x64xf32, #tpu.memory_space<vmem>>)
      %add3A_172 = arith.constant 1 : i32
      %add3A_173 = arith.addi %mul3A_144, %add3A_172 : i32
      %add3A_174 = arith.addi %mul3A_2, %add3A_173 : i32
      %dma_start3A_175 = arith.constant 0 : i32
      %dma_start3A_176 = arith.constant 0 : i32
      %dma_start3A_177 = tpu.memref_slice %arg4[%add3A_174, %dma_start3A_175, %dma_start3A_176] : memref<6400x128x64xf32, #tpu.memory_space<hbm>> -> memref<1x128x64xf32, #tpu.memory_space<hbm>>
      %dma_start3A_178 = tpu.memref_squeeze %dma_start3A_177 : memref<1x128x64xf32, #tpu.memory_space<hbm>> -> memref<128x64xf32, #tpu.memory_space<hbm>>
      %dma_start3A_179 = arith.constant 0 : i32
      %dma_start3A_180 = arith.constant 0 : i32
      %dma_start3A_181 = tpu.memref_slice %arg4[%add3A_174, %dma_start3A_179, %dma_start3A_180] : memref<6400x128x64xf32, #tpu.memory_space<hbm>> -> memref<1x128x64xf32, #tpu.memory_space<hbm>>
      %dma_start3A_182 = tpu.memref_squeeze %dma_start3A_181 : memref<1x128x64xf32, #tpu.memory_space<hbm>> -> memref<128x64xf32, #tpu.memory_space<hbm>>
      tpu.enqueue_dma source(%arg7 : memref<128x64xf32, #tpu.memory_space<vmem>>) target(%dma_start3A_182 : memref<128x64xf32, #tpu.memory_space<hbm>>) target_semaphore(%arg15 : memref<!tpu.dma_semaphore, #tpu.memory_space<semaphore_mem>>)
      %add3A_183 = arith.constant 2 : i32
      %add3A_184 = arith.addi %mul3A_144, %add3A_183 : i32
      %dma_wait3A_185 = arith.constant 0 : i32
      %dma_wait3A_186 = tpu.memref_slice %arg5[%add3A_184, %dma_wait3A_185] : memref<200x128xi32, #tpu.memory_space<vmem>> -> memref<1x128xi32, #tpu.memory_space<vmem>>
      %dma_wait3A_187 = tpu.memref_squeeze %dma_wait3A_186 : memref<1x128xi32, #tpu.memory_space<vmem>> -> memref<128xi32, #tpu.memory_space<vmem>>
      %dma_wait3A_188 = arith.constant 0 : i32
      %dma_wait3A_189 = arith.constant 0 : i32
      %dma_wait3A_190 = tpu.memref_slice %arg3[%dma_wait3A_188, %dma_wait3A_189] : memref<1000000x64xf32, #tpu.memory_space<hbm>> -> memref<1000000x64xf32, #tpu.memory_space<hbm>>
      tpu.wait_indirect_dma semaphore(%arg12 : memref<!tpu.dma_semaphore, #tpu.memory_space<semaphore_mem>>) src(%dma_wait3A_190 : memref<1000000x64xf32, #tpu.memory_space<hbm>>) dst(%arg8 : memref<128x64xf32, #tpu.memory_space<vmem>>)
      %add3A_191 = arith.constant 2 : i32
      %add3A_192 = arith.addi %mul3A_144, %add3A_191 : i32
      %add3A_193 = arith.addi %mul3A_2, %add3A_192 : i32
      %dma_start3A_194 = arith.constant 0 : i32
      %dma_start3A_195 = arith.constant 0 : i32
      %dma_start3A_196 = tpu.memref_slice %arg4[%add3A_193, %dma_start3A_194, %dma_start3A_195] : memref<6400x128x64xf32, #tpu.memory_space<hbm>> -> memref<1x128x64xf32, #tpu.memory_space<hbm>>
      %dma_start3A_197 = tpu.memref_squeeze %dma_start3A_196 : memref<1x128x64xf32, #tpu.memory_space<hbm>> -> memref<128x64xf32, #tpu.memory_space<hbm>>
      %dma_start3A_198 = arith.constant 0 : i32
      %dma_start3A_199 = arith.constant 0 : i32
      %dma_start3A_200 = tpu.memref_slice %arg4[%add3A_193, %dma_start3A_198, %dma_start3A_199] : memref<6400x128x64xf32, #tpu.memory_space<hbm>> -> memref<1x128x64xf32, #tpu.memory_space<hbm>>
      %dma_start3A_201 = tpu.memref_squeeze %dma_start3A_200 : memref<1x128x64xf32, #tpu.memory_space<hbm>> -> memref<128x64xf32, #tpu.memory_space<hbm>>
      tpu.enqueue_dma source(%arg8 : memref<128x64xf32, #tpu.memory_space<vmem>>) target(%dma_start3A_201 : memref<128x64xf32, #tpu.memory_space<hbm>>) target_semaphore(%arg16 : memref<!tpu.dma_semaphore, #tpu.memory_space<semaphore_mem>>)
      %add3A_202 = arith.constant 3 : i32
      %add3A_203 = arith.addi %mul3A_144, %add3A_202 : i32
      %dma_wait3A_204 = arith.constant 0 : i32
      %dma_wait3A_205 = tpu.memref_slice %arg5[%add3A_203, %dma_wait3A_204] : memref<200x128xi32, #tpu.memory_space<vmem>> -> memref<1x128xi32, #tpu.memory_space<vmem>>
      %dma_wait3A_206 = tpu.memref_squeeze %dma_wait3A_205 : memref<1x128xi32, #tpu.memory_space<vmem>> -> memref<128xi32, #tpu.memory_space<vmem>>
      %dma_wait3A_207 = arith.constant 0 : i32
      %dma_wait3A_208 = arith.constant 0 : i32
      %dma_wait3A_209 = tpu.memref_slice %arg3[%dma_wait3A_207, %dma_wait3A_208] : memref<1000000x64xf32, #tpu.memory_space<hbm>> -> memref<1000000x64xf32, #tpu.memory_space<hbm>>
      tpu.wait_indirect_dma semaphore(%arg13 : memref<!tpu.dma_semaphore, #tpu.memory_space<semaphore_mem>>) src(%dma_wait3A_209 : memref<1000000x64xf32, #tpu.memory_space<hbm>>) dst(%arg9 : memref<128x64xf32, #tpu.memory_space<vmem>>)
      %add3A_210 = arith.constant 3 : i32
      %add3A_211 = arith.addi %mul3A_144, %add3A_210 : i32
      %add3A_212 = arith.addi %mul3A_2, %add3A_211 : i32
      %dma_start3A_213 = arith.constant 0 : i32
      %dma_start3A_214 = arith.constant 0 : i32
      %dma_start3A_215 = tpu.memref_slice %arg4[%add3A_212, %dma_start3A_213, %dma_start3A_214] : memref<6400x128x64xf32, #tpu.memory_space<hbm>> -> memref<1x128x64xf32, #tpu.memory_space<hbm>>
      %dma_start3A_216 = tpu.memref_squeeze %dma_start3A_215 : memref<1x128x64xf32, #tpu.memory_space<hbm>> -> memref<128x64xf32, #tpu.memory_space<hbm>>
      %dma_start3A_217 = arith.constant 0 : i32
      %dma_start3A_218 = arith.constant 0 : i32
      %dma_start3A_219 = tpu.memref_slice %arg4[%add3A_212, %dma_start3A_217, %dma_start3A_218] : memref<6400x128x64xf32, #tpu.memory_space<hbm>> -> memref<1x128x64xf32, #tpu.memory_space<hbm>>
      %dma_start3A_220 = tpu.memref_squeeze %dma_start3A_219 : memref<1x128x64xf32, #tpu.memory_space<hbm>> -> memref<128x64xf32, #tpu.memory_space<hbm>>
      tpu.enqueue_dma source(%arg9 : memref<128x64xf32, #tpu.memory_space<vmem>>) target(%dma_start3A_220 : memref<128x64xf32, #tpu.memory_space<hbm>>) target_semaphore(%arg17 : memref<!tpu.dma_semaphore, #tpu.memory_space<semaphore_mem>>)
      %add3A_221 = arith.constant 0 : i32
      %add3A_222 = arith.addi %mul3A_144, %add3A_221 : i32
      %add3A_223 = arith.addi %mul3A_2, %add3A_222 : i32
      %dma_wait3A_224 = arith.constant 0 : i32
      %dma_wait3A_225 = arith.constant 0 : i32
      %dma_wait3A_226 = tpu.memref_slice %arg4[%add3A_223, %dma_wait3A_224, %dma_wait3A_225] : memref<6400x128x64xf32, #tpu.memory_space<hbm>> -> memref<1x128x64xf32, #tpu.memory_space<hbm>>
      %dma_wait3A_227 = tpu.memref_squeeze %dma_wait3A_226 : memref<1x128x64xf32, #tpu.memory_space<hbm>> -> memref<128x64xf32, #tpu.memory_space<hbm>>
      %dma_wait3A_228 = arith.constant 0 : i32
      %dma_wait3A_229 = arith.constant 0 : i32
      %dma_wait3A_230 = tpu.memref_slice %arg4[%add3A_223, %dma_wait3A_228, %dma_wait3A_229] : memref<6400x128x64xf32, #tpu.memory_space<hbm>> -> memref<1x128x64xf32, #tpu.memory_space<hbm>>
      %dma_wait3A_231 = tpu.memref_squeeze %dma_wait3A_230 : memref<1x128x64xf32, #tpu.memory_space<hbm>> -> memref<128x64xf32, #tpu.memory_space<hbm>>
      tpu.wait_dma2 semaphore(%arg14 : memref<!tpu.dma_semaphore, #tpu.memory_space<semaphore_mem>>) src(%arg6 : memref<128x64xf32, #tpu.memory_space<vmem>>) dst(%dma_wait3A_231 : memref<128x64xf32, #tpu.memory_space<hbm>>)
      %add3A_232 = arith.constant 4 : i32
      %add3A_233 = arith.addi %mul3A_144, %add3A_232 : i32
      %add3A_234 = arith.constant 0 : i32
      %add3A_235 = arith.addi %add3A_233, %add3A_234 : i32
      %dma_start3A_236 = arith.constant 0 : i32
      %dma_start3A_237 = tpu.memref_slice %arg5[%add3A_235, %dma_start3A_236] : memref<200x128xi32, #tpu.memory_space<vmem>> -> memref<1x128xi32, #tpu.memory_space<vmem>>
      %dma_start3A_238 = tpu.memref_squeeze %dma_start3A_237 : memref<1x128xi32, #tpu.memory_space<vmem>> -> memref<128xi32, #tpu.memory_space<vmem>>
      %dma_start3A_239 = arith.constant 0 : i32
      %dma_start3A_240 = arith.constant 0 : i32
      %dma_start3A_241 = tpu.memref_slice %arg3[%dma_start3A_239, %dma_start3A_240] : memref<1000000x64xf32, #tpu.memory_space<hbm>> -> memref<1000000x64xf32, #tpu.memory_space<hbm>>
      tpu.enqueue_indirect_dma source(%dma_start3A_241 : memref<1000000x64xf32, #tpu.memory_space<hbm>>) target(%arg6 : memref<128x64xf32, #tpu.memory_space<vmem>>) offsets(%dma_start3A_238 : memref<128xi32, #tpu.memory_space<vmem>>) semaphore(%arg10 : memref<!tpu.dma_semaphore, #tpu.memory_space<semaphore_mem>>)
      %add3A_242 = arith.constant 1 : i32
      %add3A_243 = arith.addi %mul3A_144, %add3A_242 : i32
      %add3A_244 = arith.addi %mul3A_2, %add3A_243 : i32
      %dma_wait3A_245 = arith.constant 0 : i32
      %dma_wait3A_246 = arith.constant 0 : i32
      %dma_wait3A_247 = tpu.memref_slice %arg4[%add3A_244, %dma_wait3A_245, %dma_wait3A_246] : memref<6400x128x64xf32, #tpu.memory_space<hbm>> -> memref<1x128x64xf32, #tpu.memory_space<hbm>>
      %dma_wait3A_248 = tpu.memref_squeeze %dma_wait3A_247 : memref<1x128x64xf32, #tpu.memory_space<hbm>> -> memref<128x64xf32, #tpu.memory_space<hbm>>
      %dma_wait3A_249 = arith.constant 0 : i32
      %dma_wait3A_250 = arith.constant 0 : i32
      %dma_wait3A_251 = tpu.memref_slice %arg4[%add3A_244, %dma_wait3A_249, %dma_wait3A_250] : memref<6400x128x64xf32, #tpu.memory_space<hbm>> -> memref<1x128x64xf32, #tpu.memory_space<hbm>>
      %dma_wait3A_252 = tpu.memref_squeeze %dma_wait3A_251 : memref<1x128x64xf32, #tpu.memory_space<hbm>> -> memref<128x64xf32, #tpu.memory_space<hbm>>
      tpu.wait_dma2 semaphore(%arg15 : memref<!tpu.dma_semaphore, #tpu.memory_space<semaphore_mem>>) src(%arg7 : memref<128x64xf32, #tpu.memory_space<vmem>>) dst(%dma_wait3A_252 : memref<128x64xf32, #tpu.memory_space<hbm>>)
      %add3A_253 = arith.constant 4 : i32
      %add3A_254 = arith.addi %mul3A_144, %add3A_253 : i32
      %add3A_255 = arith.constant 1 : i32
      %add3A_256 = arith.addi %add3A_254, %add3A_255 : i32
      %dma_start3A_257 = arith.constant 0 : i32
      %dma_start3A_258 = tpu.memref_slice %arg5[%add3A_256, %dma_start3A_257] : memref<200x128xi32, #tpu.memory_space<vmem>> -> memref<1x128xi32, #tpu.memory_space<vmem>>
      %dma_start3A_259 = tpu.memref_squeeze %dma_start3A_258 : memref<1x128xi32, #tpu.memory_space<vmem>> -> memref<128xi32, #tpu.memory_space<vmem>>
      %dma_start3A_260 = arith.constant 0 : i32
      %dma_start3A_261 = arith.constant 0 : i32
      %dma_start3A_262 = tpu.memref_slice %arg3[%dma_start3A_260, %dma_start3A_261] : memref<1000000x64xf32, #tpu.memory_space<hbm>> -> memref<1000000x64xf32, #tpu.memory_space<hbm>>
      tpu.enqueue_indirect_dma source(%dma_start3A_262 : memref<1000000x64xf32, #tpu.memory_space<hbm>>) target(%arg7 : memref<128x64xf32, #tpu.memory_space<vmem>>) offsets(%dma_start3A_259 : memref<128xi32, #tpu.memory_space<vmem>>) semaphore(%arg11 : memref<!tpu.dma_semaphore, #tpu.memory_space<semaphore_mem>>)
      %add3A_263 = arith.constant 2 : i32
      %add3A_264 = arith.addi %mul3A_144, %add3A_263 : i32
      %add3A_265 = arith.addi %mul3A_2, %add3A_264 : i32
      %dma_wait3A_266 = arith.constant 0 : i32
      %dma_wait3A_267 = arith.constant 0 : i32
      %dma_wait3A_268 = tpu.memref_slice %arg4[%add3A_265, %dma_wait3A_266, %dma_wait3A_267] : memref<6400x128x64xf32, #tpu.memory_space<hbm>> -> memref<1x128x64xf32, #tpu.memory_space<hbm>>
      %dma_wait3A_269 = tpu.memref_squeeze %dma_wait3A_268 : memref<1x128x64xf32, #tpu.memory_space<hbm>> -> memref<128x64xf32, #tpu.memory_space<hbm>>
      %dma_wait3A_270 = arith.constant 0 : i32
      %dma_wait3A_271 = arith.constant 0 : i32
      %dma_wait3A_272 = tpu.memref_slice %arg4[%add3A_265, %dma_wait3A_270, %dma_wait3A_271] : memref<6400x128x64xf32, #tpu.memory_space<hbm>> -> memref<1x128x64xf32, #tpu.memory_space<hbm>>
      %dma_wait3A_273 = tpu.memref_squeeze %dma_wait3A_272 : memref<1x128x64xf32, #tpu.memory_space<hbm>> -> memref<128x64xf32, #tpu.memory_space<hbm>>
      tpu.wait_dma2 semaphore(%arg16 : memref<!tpu.dma_semaphore, #tpu.memory_space<semaphore_mem>>) src(%arg8 : memref<128x64xf32, #tpu.memory_space<vmem>>) dst(%dma_wait3A_273 : memref<128x64xf32, #tpu.memory_space<hbm>>)
      %add3A_274 = arith.constant 4 : i32
      %add3A_275 = arith.addi %mul3A_144, %add3A_274 : i32
      %add3A_276 = arith.constant 2 : i32
      %add3A_277 = arith.addi %add3A_275, %add3A_276 : i32
      %dma_start3A_278 = arith.constant 0 : i32
      %dma_start3A_279 = tpu.memref_slice %arg5[%add3A_277, %dma_start3A_278] : memref<200x128xi32, #tpu.memory_space<vmem>> -> memref<1x128xi32, #tpu.memory_space<vmem>>
      %dma_start3A_280 = tpu.memref_squeeze %dma_start3A_279 : memref<1x128xi32, #tpu.memory_space<vmem>> -> memref<128xi32, #tpu.memory_space<vmem>>
      %dma_start3A_281 = arith.constant 0 : i32
      %dma_start3A_282 = arith.constant 0 : i32
      %dma_start3A_283 = tpu.memref_slice %arg3[%dma_start3A_281, %dma_start3A_282] : memref<1000000x64xf32, #tpu.memory_space<hbm>> -> memref<1000000x64xf32, #tpu.memory_space<hbm>>
      tpu.enqueue_indirect_dma source(%dma_start3A_283 : memref<1000000x64xf32, #tpu.memory_space<hbm>>) target(%arg8 : memref<128x64xf32, #tpu.memory_space<vmem>>) offsets(%dma_start3A_280 : memref<128xi32, #tpu.memory_space<vmem>>) semaphore(%arg12 : memref<!tpu.dma_semaphore, #tpu.memory_space<semaphore_mem>>)
      %add3A_284 = arith.constant 3 : i32
      %add3A_285 = arith.addi %mul3A_144, %add3A_284 : i32
      %add3A_286 = arith.addi %mul3A_2, %add3A_285 : i32
      %dma_wait3A_287 = arith.constant 0 : i32
      %dma_wait3A_288 = arith.constant 0 : i32
      %dma_wait3A_289 = tpu.memref_slice %arg4[%add3A_286, %dma_wait3A_287, %dma_wait3A_288] : memref<6400x128x64xf32, #tpu.memory_space<hbm>> -> memref<1x128x64xf32, #tpu.memory_space<hbm>>
      %dma_wait3A_290 = tpu.memref_squeeze %dma_wait3A_289 : memref<1x128x64xf32, #tpu.memory_space<hbm>> -> memref<128x64xf32, #tpu.memory_space<hbm>>
      %dma_wait3A_291 = arith.constant 0 : i32
      %dma_wait3A_292 = arith.constant 0 : i32
      %dma_wait3A_293 = tpu.memref_slice %arg4[%add3A_286, %dma_wait3A_291, %dma_wait3A_292] : memref<6400x128x64xf32, #tpu.memory_space<hbm>> -> memref<1x128x64xf32, #tpu.memory_space<hbm>>
      %dma_wait3A_294 = tpu.memref_squeeze %dma_wait3A_293 : memref<1x128x64xf32, #tpu.memory_space<hbm>> -> memref<128x64xf32, #tpu.memory_space<hbm>>
      tpu.wait_dma2 semaphore(%arg17 : memref<!tpu.dma_semaphore, #tpu.memory_space<semaphore_mem>>) src(%arg9 : memref<128x64xf32, #tpu.memory_space<vmem>>) dst(%dma_wait3A_294 : memref<128x64xf32, #tpu.memory_space<hbm>>)
      %add3A_295 = arith.constant 4 : i32
      %add3A_296 = arith.addi %mul3A_144, %add3A_295 : i32
      %add3A_297 = arith.constant 3 : i32
      %add3A_298 = arith.addi %add3A_296, %add3A_297 : i32
      %dma_start3A_299 = arith.constant 0 : i32
      %dma_start3A_300 = tpu.memref_slice %arg5[%add3A_298, %dma_start3A_299] : memref<200x128xi32, #tpu.memory_space<vmem>> -> memref<1x128xi32, #tpu.memory_space<vmem>>
      %dma_start3A_301 = tpu.memref_squeeze %dma_start3A_300 : memref<1x128xi32, #tpu.memory_space<vmem>> -> memref<128xi32, #tpu.memory_space<vmem>>
      %dma_start3A_302 = arith.constant 0 : i32
      %dma_start3A_303 = arith.constant 0 : i32
      %dma_start3A_304 = tpu.memref_slice %arg3[%dma_start3A_302, %dma_start3A_303] : memref<1000000x64xf32, #tpu.memory_space<hbm>> -> memref<1000000x64xf32, #tpu.memory_space<hbm>>
      tpu.enqueue_indirect_dma source(%dma_start3A_304 : memref<1000000x64xf32, #tpu.memory_space<hbm>>) target(%arg9 : memref<128x64xf32, #tpu.memory_space<vmem>>) offsets(%dma_start3A_301 : memref<128xi32, #tpu.memory_space<vmem>>) semaphore(%arg13 : memref<!tpu.dma_semaphore, #tpu.memory_space<semaphore_mem>>)
    }
    %scan3A_34 = arith.constant 49 : i32
    %dma_wait3A = arith.constant 196 : i32
    %dma_wait3A_35 = arith.constant 0 : i32
    %dma_wait3A_36 = tpu.memref_slice %arg5[%dma_wait3A, %dma_wait3A_35] : memref<200x128xi32, #tpu.memory_space<vmem>> -> memref<1x128xi32, #tpu.memory_space<vmem>>
    %dma_wait3A_37 = tpu.memref_squeeze %dma_wait3A_36 : memref<1x128xi32, #tpu.memory_space<vmem>> -> memref<128xi32, #tpu.memory_space<vmem>>
    %dma_wait3A_38 = arith.constant 0 : i32
    %dma_wait3A_39 = arith.constant 0 : i32
    %dma_wait3A_40 = tpu.memref_slice %arg3[%dma_wait3A_38, %dma_wait3A_39] : memref<1000000x64xf32, #tpu.memory_space<hbm>> -> memref<1000000x64xf32, #tpu.memory_space<hbm>>
    tpu.wait_indirect_dma semaphore(%arg10 : memref<!tpu.dma_semaphore, #tpu.memory_space<semaphore_mem>>) src(%dma_wait3A_40 : memref<1000000x64xf32, #tpu.memory_space<hbm>>) dst(%arg6 : memref<128x64xf32, #tpu.memory_space<vmem>>)
    %add3A_41 = arith.constant 196 : i32
    %add3A_42 = arith.addi %mul3A_2, %add3A_41 : i32
    %dma_start3A_43 = arith.constant 0 : i32
    %dma_start3A_44 = arith.constant 0 : i32
    %dma_start3A_45 = tpu.memref_slice %arg4[%add3A_42, %dma_start3A_43, %dma_start3A_44] : memref<6400x128x64xf32, #tpu.memory_space<hbm>> -> memref<1x128x64xf32, #tpu.memory_space<hbm>>
    %dma_start3A_46 = tpu.memref_squeeze %dma_start3A_45 : memref<1x128x64xf32, #tpu.memory_space<hbm>> -> memref<128x64xf32, #tpu.memory_space<hbm>>
    %dma_start3A_47 = arith.constant 0 : i32
    %dma_start3A_48 = arith.constant 0 : i32
    %dma_start3A_49 = tpu.memref_slice %arg4[%add3A_42, %dma_start3A_47, %dma_start3A_48] : memref<6400x128x64xf32, #tpu.memory_space<hbm>> -> memref<1x128x64xf32, #tpu.memory_space<hbm>>
    %dma_start3A_50 = tpu.memref_squeeze %dma_start3A_49 : memref<1x128x64xf32, #tpu.memory_space<hbm>> -> memref<128x64xf32, #tpu.memory_space<hbm>>
    tpu.enqueue_dma source(%arg6 : memref<128x64xf32, #tpu.memory_space<vmem>>) target(%dma_start3A_50 : memref<128x64xf32, #tpu.memory_space<hbm>>) target_semaphore(%arg14 : memref<!tpu.dma_semaphore, #tpu.memory_space<semaphore_mem>>)
    %dma_wait3A_51 = arith.constant 197 : i32
    %dma_wait3A_52 = arith.constant 0 : i32
    %dma_wait3A_53 = tpu.memref_slice %arg5[%dma_wait3A_51, %dma_wait3A_52] : memref<200x128xi32, #tpu.memory_space<vmem>> -> memref<1x128xi32, #tpu.memory_space<vmem>>
    %dma_wait3A_54 = tpu.memref_squeeze %dma_wait3A_53 : memref<1x128xi32, #tpu.memory_space<vmem>> -> memref<128xi32, #tpu.memory_space<vmem>>
    %dma_wait3A_55 = arith.constant 0 : i32
    %dma_wait3A_56 = arith.constant 0 : i32
    %dma_wait3A_57 = tpu.memref_slice %arg3[%dma_wait3A_55, %dma_wait3A_56] : memref<1000000x64xf32, #tpu.memory_space<hbm>> -> memref<1000000x64xf32, #tpu.memory_space<hbm>>
    tpu.wait_indirect_dma semaphore(%arg11 : memref<!tpu.dma_semaphore, #tpu.memory_space<semaphore_mem>>) src(%dma_wait3A_57 : memref<1000000x64xf32, #tpu.memory_space<hbm>>) dst(%arg7 : memref<128x64xf32, #tpu.memory_space<vmem>>)
    %add3A_58 = arith.constant 197 : i32
    %add3A_59 = arith.addi %mul3A_2, %add3A_58 : i32
    %dma_start3A_60 = arith.constant 0 : i32
    %dma_start3A_61 = arith.constant 0 : i32
    %dma_start3A_62 = tpu.memref_slice %arg4[%add3A_59, %dma_start3A_60, %dma_start3A_61] : memref<6400x128x64xf32, #tpu.memory_space<hbm>> -> memref<1x128x64xf32, #tpu.memory_space<hbm>>
    %dma_start3A_63 = tpu.memref_squeeze %dma_start3A_62 : memref<1x128x64xf32, #tpu.memory_space<hbm>> -> memref<128x64xf32, #tpu.memory_space<hbm>>
    %dma_start3A_64 = arith.constant 0 : i32
    %dma_start3A_65 = arith.constant 0 : i32
    %dma_start3A_66 = tpu.memref_slice %arg4[%add3A_59, %dma_start3A_64, %dma_start3A_65] : memref<6400x128x64xf32, #tpu.memory_space<hbm>> -> memref<1x128x64xf32, #tpu.memory_space<hbm>>
    %dma_start3A_67 = tpu.memref_squeeze %dma_start3A_66 : memref<1x128x64xf32, #tpu.memory_space<hbm>> -> memref<128x64xf32, #tpu.memory_space<hbm>>
    tpu.enqueue_dma source(%arg7 : memref<128x64xf32, #tpu.memory_space<vmem>>) target(%dma_start3A_67 : memref<128x64xf32, #tpu.memory_space<hbm>>) target_semaphore(%arg15 : memref<!tpu.dma_semaphore, #tpu.memory_space<semaphore_mem>>)
    %dma_wait3A_68 = arith.constant 198 : i32
    %dma_wait3A_69 = arith.constant 0 : i32
    %dma_wait3A_70 = tpu.memref_slice %arg5[%dma_wait3A_68, %dma_wait3A_69] : memref<200x128xi32, #tpu.memory_space<vmem>> -> memref<1x128xi32, #tpu.memory_space<vmem>>
    %dma_wait3A_71 = tpu.memref_squeeze %dma_wait3A_70 : memref<1x128xi32, #tpu.memory_space<vmem>> -> memref<128xi32, #tpu.memory_space<vmem>>
    %dma_wait3A_72 = arith.constant 0 : i32
    %dma_wait3A_73 = arith.constant 0 : i32
    %dma_wait3A_74 = tpu.memref_slice %arg3[%dma_wait3A_72, %dma_wait3A_73] : memref<1000000x64xf32, #tpu.memory_space<hbm>> -> memref<1000000x64xf32, #tpu.memory_space<hbm>>
    tpu.wait_indirect_dma semaphore(%arg12 : memref<!tpu.dma_semaphore, #tpu.memory_space<semaphore_mem>>) src(%dma_wait3A_74 : memref<1000000x64xf32, #tpu.memory_space<hbm>>) dst(%arg8 : memref<128x64xf32, #tpu.memory_space<vmem>>)
    %add3A_75 = arith.constant 198 : i32
    %add3A_76 = arith.addi %mul3A_2, %add3A_75 : i32
    %dma_start3A_77 = arith.constant 0 : i32
    %dma_start3A_78 = arith.constant 0 : i32
    %dma_start3A_79 = tpu.memref_slice %arg4[%add3A_76, %dma_start3A_77, %dma_start3A_78] : memref<6400x128x64xf32, #tpu.memory_space<hbm>> -> memref<1x128x64xf32, #tpu.memory_space<hbm>>
    %dma_start3A_80 = tpu.memref_squeeze %dma_start3A_79 : memref<1x128x64xf32, #tpu.memory_space<hbm>> -> memref<128x64xf32, #tpu.memory_space<hbm>>
    %dma_start3A_81 = arith.constant 0 : i32
    %dma_start3A_82 = arith.constant 0 : i32
    %dma_start3A_83 = tpu.memref_slice %arg4[%add3A_76, %dma_start3A_81, %dma_start3A_82] : memref<6400x128x64xf32, #tpu.memory_space<hbm>> -> memref<1x128x64xf32, #tpu.memory_space<hbm>>
    %dma_start3A_84 = tpu.memref_squeeze %dma_start3A_83 : memref<1x128x64xf32, #tpu.memory_space<hbm>> -> memref<128x64xf32, #tpu.memory_space<hbm>>
    tpu.enqueue_dma source(%arg8 : memref<128x64xf32, #tpu.memory_space<vmem>>) target(%dma_start3A_84 : memref<128x64xf32, #tpu.memory_space<hbm>>) target_semaphore(%arg16 : memref<!tpu.dma_semaphore, #tpu.memory_space<semaphore_mem>>)
    %dma_wait3A_85 = arith.constant 199 : i32
    %dma_wait3A_86 = arith.constant 0 : i32
    %dma_wait3A_87 = tpu.memref_slice %arg5[%dma_wait3A_85, %dma_wait3A_86] : memref<200x128xi32, #tpu.memory_space<vmem>> -> memref<1x128xi32, #tpu.memory_space<vmem>>
    %dma_wait3A_88 = tpu.memref_squeeze %dma_wait3A_87 : memref<1x128xi32, #tpu.memory_space<vmem>> -> memref<128xi32, #tpu.memory_space<vmem>>
    %dma_wait3A_89 = arith.constant 0 : i32
    %dma_wait3A_90 = arith.constant 0 : i32
    %dma_wait3A_91 = tpu.memref_slice %arg3[%dma_wait3A_89, %dma_wait3A_90] : memref<1000000x64xf32, #tpu.memory_space<hbm>> -> memref<1000000x64xf32, #tpu.memory_space<hbm>>
    tpu.wait_indirect_dma semaphore(%arg13 : memref<!tpu.dma_semaphore, #tpu.memory_space<semaphore_mem>>) src(%dma_wait3A_91 : memref<1000000x64xf32, #tpu.memory_space<hbm>>) dst(%arg9 : memref<128x64xf32, #tpu.memory_space<vmem>>)
    %add3A_92 = arith.constant 199 : i32
    %add3A_93 = arith.addi %mul3A_2, %add3A_92 : i32
    %dma_start3A_94 = arith.constant 0 : i32
    %dma_start3A_95 = arith.constant 0 : i32
    %dma_start3A_96 = tpu.memref_slice %arg4[%add3A_93, %dma_start3A_94, %dma_start3A_95] : memref<6400x128x64xf32, #tpu.memory_space<hbm>> -> memref<1x128x64xf32, #tpu.memory_space<hbm>>
    %dma_start3A_97 = tpu.memref_squeeze %dma_start3A_96 : memref<1x128x64xf32, #tpu.memory_space<hbm>> -> memref<128x64xf32, #tpu.memory_space<hbm>>
    %dma_start3A_98 = arith.constant 0 : i32
    %dma_start3A_99 = arith.constant 0 : i32
    %dma_start3A_100 = tpu.memref_slice %arg4[%add3A_93, %dma_start3A_98, %dma_start3A_99] : memref<6400x128x64xf32, #tpu.memory_space<hbm>> -> memref<1x128x64xf32, #tpu.memory_space<hbm>>
    %dma_start3A_101 = tpu.memref_squeeze %dma_start3A_100 : memref<1x128x64xf32, #tpu.memory_space<hbm>> -> memref<128x64xf32, #tpu.memory_space<hbm>>
    tpu.enqueue_dma source(%arg9 : memref<128x64xf32, #tpu.memory_space<vmem>>) target(%dma_start3A_101 : memref<128x64xf32, #tpu.memory_space<hbm>>) target_semaphore(%arg17 : memref<!tpu.dma_semaphore, #tpu.memory_space<semaphore_mem>>)
    %add3A_102 = arith.constant 196 : i32
    %add3A_103 = arith.addi %mul3A_2, %add3A_102 : i32
    %dma_wait3A_104 = arith.constant 0 : i32
    %dma_wait3A_105 = arith.constant 0 : i32
    %dma_wait3A_106 = tpu.memref_slice %arg4[%add3A_103, %dma_wait3A_104, %dma_wait3A_105] : memref<6400x128x64xf32, #tpu.memory_space<hbm>> -> memref<1x128x64xf32, #tpu.memory_space<hbm>>
    %dma_wait3A_107 = tpu.memref_squeeze %dma_wait3A_106 : memref<1x128x64xf32, #tpu.memory_space<hbm>> -> memref<128x64xf32, #tpu.memory_space<hbm>>
    %dma_wait3A_108 = arith.constant 0 : i32
    %dma_wait3A_109 = arith.constant 0 : i32
    %dma_wait3A_110 = tpu.memref_slice %arg4[%add3A_103, %dma_wait3A_108, %dma_wait3A_109] : memref<6400x128x64xf32, #tpu.memory_space<hbm>> -> memref<1x128x64xf32, #tpu.memory_space<hbm>>
    %dma_wait3A_111 = tpu.memref_squeeze %dma_wait3A_110 : memref<1x128x64xf32, #tpu.memory_space<hbm>> -> memref<128x64xf32, #tpu.memory_space<hbm>>
    tpu.wait_dma2 semaphore(%arg14 : memref<!tpu.dma_semaphore, #tpu.memory_space<semaphore_mem>>) src(%arg6 : memref<128x64xf32, #tpu.memory_space<vmem>>) dst(%dma_wait3A_111 : memref<128x64xf32, #tpu.memory_space<hbm>>)
    %add3A_112 = arith.constant 197 : i32
    %add3A_113 = arith.addi %mul3A_2, %add3A_112 : i32
    %dma_wait3A_114 = arith.constant 0 : i32
    %dma_wait3A_115 = arith.constant 0 : i32
    %dma_wait3A_116 = tpu.memref_slice %arg4[%add3A_113, %dma_wait3A_114, %dma_wait3A_115] : memref<6400x128x64xf32, #tpu.memory_space<hbm>> -> memref<1x128x64xf32, #tpu.memory_space<hbm>>
    %dma_wait3A_117 = tpu.memref_squeeze %dma_wait3A_116 : memref<1x128x64xf32, #tpu.memory_space<hbm>> -> memref<128x64xf32, #tpu.memory_space<hbm>>
    %dma_wait3A_118 = arith.constant 0 : i32
    %dma_wait3A_119 = arith.constant 0 : i32
    %dma_wait3A_120 = tpu.memref_slice %arg4[%add3A_113, %dma_wait3A_118, %dma_wait3A_119] : memref<6400x128x64xf32, #tpu.memory_space<hbm>> -> memref<1x128x64xf32, #tpu.memory_space<hbm>>
    %dma_wait3A_121 = tpu.memref_squeeze %dma_wait3A_120 : memref<1x128x64xf32, #tpu.memory_space<hbm>> -> memref<128x64xf32, #tpu.memory_space<hbm>>
    tpu.wait_dma2 semaphore(%arg15 : memref<!tpu.dma_semaphore, #tpu.memory_space<semaphore_mem>>) src(%arg7 : memref<128x64xf32, #tpu.memory_space<vmem>>) dst(%dma_wait3A_121 : memref<128x64xf32, #tpu.memory_space<hbm>>)
    %add3A_122 = arith.constant 198 : i32
    %add3A_123 = arith.addi %mul3A_2, %add3A_122 : i32
    %dma_wait3A_124 = arith.constant 0 : i32
    %dma_wait3A_125 = arith.constant 0 : i32
    %dma_wait3A_126 = tpu.memref_slice %arg4[%add3A_123, %dma_wait3A_124, %dma_wait3A_125] : memref<6400x128x64xf32, #tpu.memory_space<hbm>> -> memref<1x128x64xf32, #tpu.memory_space<hbm>>
    %dma_wait3A_127 = tpu.memref_squeeze %dma_wait3A_126 : memref<1x128x64xf32, #tpu.memory_space<hbm>> -> memref<128x64xf32, #tpu.memory_space<hbm>>
    %dma_wait3A_128 = arith.constant 0 : i32
    %dma_wait3A_129 = arith.constant 0 : i32
    %dma_wait3A_130 = tpu.memref_slice %arg4[%add3A_123, %dma_wait3A_128, %dma_wait3A_129] : memref<6400x128x64xf32, #tpu.memory_space<hbm>> -> memref<1x128x64xf32, #tpu.memory_space<hbm>>
    %dma_wait3A_131 = tpu.memref_squeeze %dma_wait3A_130 : memref<1x128x64xf32, #tpu.memory_space<hbm>> -> memref<128x64xf32, #tpu.memory_space<hbm>>
    tpu.wait_dma2 semaphore(%arg16 : memref<!tpu.dma_semaphore, #tpu.memory_space<semaphore_mem>>) src(%arg8 : memref<128x64xf32, #tpu.memory_space<vmem>>) dst(%dma_wait3A_131 : memref<128x64xf32, #tpu.memory_space<hbm>>)
    %add3A_132 = arith.constant 199 : i32
    %add3A_133 = arith.addi %mul3A_2, %add3A_132 : i32
    %dma_wait3A_134 = arith.constant 0 : i32
    %dma_wait3A_135 = arith.constant 0 : i32
    %dma_wait3A_136 = tpu.memref_slice %arg4[%add3A_133, %dma_wait3A_134, %dma_wait3A_135] : memref<6400x128x64xf32, #tpu.memory_space<hbm>> -> memref<1x128x64xf32, #tpu.memory_space<hbm>>
    %dma_wait3A_137 = tpu.memref_squeeze %dma_wait3A_136 : memref<1x128x64xf32, #tpu.memory_space<hbm>> -> memref<128x64xf32, #tpu.memory_space<hbm>>
    %dma_wait3A_138 = arith.constant 0 : i32
    %dma_wait3A_139 = arith.constant 0 : i32
    %dma_wait3A_140 = tpu.memref_slice %arg4[%add3A_133, %dma_wait3A_138, %dma_wait3A_139] : memref<6400x128x64xf32, #tpu.memory_space<hbm>> -> memref<1x128x64xf32, #tpu.memory_space<hbm>>
    %dma_wait3A_141 = tpu.memref_squeeze %dma_wait3A_140 : memref<1x128x64xf32, #tpu.memory_space<hbm>> -> memref<128x64xf32, #tpu.memory_space<hbm>>
    tpu.wait_dma2 semaphore(%arg17 : memref<!tpu.dma_semaphore, #tpu.memory_space<semaphore_mem>>) src(%arg9 : memref<128x64xf32, #tpu.memory_space<vmem>>) dst(%dma_wait3A_141 : memref<128x64xf32, #tpu.memory_space<hbm>>)
    return
  }
}

</mosaic_0001>

<sc_bundles>
// kernel: _embed.3.cloned.1.call-start
scs
__scs_entry_jumppad:
0x0: {  	(pc) =	sbr.rel $0x88, $3  }
0x1: {  	(tag) =	ssettag $0x0;
	lr =	simm.s32 $0x1  }
0x2: {  	[smem:$0x3F9F] =	sst lr;
	_ =	strace $0xD0000000  }
0x3: {  	_ = 	snop  }
0x4: {  	_ = 	snop  }
0x5: {  	_ = 	snop  }
0x6: {  	_ = 	snop  }
0x7: {  	_ = 	snop  }
__scs_overlays_trampoline_lowered:
0x8: {  	[smem:$0x3FAE] =	sst s0  }
0x9: {  	[smem:$0x3FAF] =	sst s1  }
0xa: {  	[smem:$0x3FB0] =	sst s2  }
0xb: {  	[smem:$0x3FB1] =	sst s3  }
0xc: {  	[smem:$0x3FB2] =	sst s4  }
0xd: {  	[smem:$0x3FB3] =	sst s5  }
0xe: {  	[smem:$0x3FB4] =	sst s6  }
0xf: {  	[smem:$0x3FB5] =	sst s7  }
0x10: {  	[smem:$0x3FB6] =	sst s8  }
0x11: {  	[smem:$0x3FB7] =	sst s9;
	s0 =	simm.s32 @!p0 $0x0  }
0x12: {  	s1 =	sld [smem:$0x3F9D];
	s0 =	simm.s32 @p0 $0x1  }
0x13: {  	[smem:$0x3FB8] =	sst s0;
	s0 =	simm.s32 @!p1 $0x0  }
0x14: {  	s2 =	sld [smem:$0x3F9C];
	s0 =	simm.s32 @p1 $0x1  }
0x15: {  	[smem:$0x3FB9] =	sst s0;
	s0 =	simm.s32 @!p2 $0x0  }
0x16: {  	s3 =	sld [smem:$0x3FDB];
	s0 =	simm.s32 @p2 $0x1  }
0x17: {  	s4 =	simm.s32 $0x1BF5;
	[smem:$0x3FBB] =	sst s0  }
0x18: {  	s0 =	sld [smem:$0x3F9E];
	_ =	swait.ge [sflag:s4], $0x0  }
0x19: {  	s7 =	sld [smem:$0x3F9F]  }
0x1a: {  	s8 =	sadd.s32 $0xFFFFE003, lr  }
0x1b: {  	s9 =	sadd.s32 $0xFFFFFEF7, lr;
	s5 =	simm.s32 $0xFFFFFFFF;
	p2 =	slt.u32 s8, $0xFFFFF086  }
0x1c: {  	p1 =	slt.u32 s9, $0xF7A;
	s5 =	simm.s32 @!p2 $0x0  }
0x1d: {  	s5 =	simm.s32 @p1 $0x1;
	p0 =	seq.s32 s7, s2  }
0x1e: {  	s7 =	smul.u32 @!p0 $0xF7A, s2;
	p2 =	seq.s32 @!p0 s5, $0x0  }
0x1f: {  	s9 =	smul.u32 $0xF7A, s1;
	s8 =	simm.s32 @!p0 $0x1BF5;
	p2 =	por !p2, p0  }
0x20: {  	[sflag:s8] =	ssyncset.s32 @!p0 $0xFFFFF086;
	s6 =	sadd.s32 @!p0 s3, s7;
	s7 =	simm.s32 @!p0 $0x108  }
0x21: {  	s3 =	sadd.s32 s3, s9;
	s6 =	sadd.s32 @!p0 $0x88, s6;
	s7 =	simm.s32 @p2 $0x1082  }
0x22: {  	[simem:s7], [sflag:s8] =	dma.local @!p0 [hbm:s6], $0xF7A  }
0x23: {  	s9 =	sor.u32 $0xD0000000, s2;
	s6 =	simm.s32 $0x108;
	_ =	swait.ge @!p0 [sflag:s8], $0x0  }
0x24: {  	s3 =	sadd.s32 $0x88, s3;
	s6 =	simm.s32 @!p1 $0x1082;
	[sflag:s4] =	ssyncset.s32 $0xFFFFF086  }
0x25: {  	[simem:s6], [sflag:s4] =	dma.local [hbm:s3], $0xF7A  }
0x26: {  	[smem:$0x3F9F] =	sst s1;
	(tag) =	ssettag s2;
	_ =	strace s9  }
0x27: {  	s1 =	sld [smem:$0x3FAF]  }
0x28: {  	s2 =	sld [smem:$0x3FB0]  }
0x29: {  	s4 =	sld [smem:$0x3FB2]  }
0x2a: {  	p0 =	seq.s32 s5, $0x0;
	s5 =	sld [smem:$0x3FB3]  }
0x2b: {  	s6 =	sld [smem:$0x3FB4]  }
0x2c: {  	s7 =	sld [smem:$0x3FB5]  }
0x2d: {  	s3 =	simm.s32 $0x108;
	s8 =	sld [smem:$0x3FB6]  }
0x2e: {  	s3 =	simm.s32 @!p0 $0x1082;
	s9 =	sld [smem:$0x3FB7]  }
0x2f: {  	lr =	sadd.s32 s0, s3;
	s0 =	sld [smem:$0x3FAE]  }
0x30: {  	s3 =	sld [smem:$0x3FB1]  }
0x31: {  	[smem:$0x3FBA] =	sst s10  }
0x32: {  	s10 =	sld [smem:$0x3FB8];
	_ =	sdelay $0x3  }
0x33: {  	p0 =	seq.s32 s10, $0x1;
	s10 =	sld [smem:$0x3FBA];
	_ =	sdelay $0x3  }
0x34: {  	[smem:$0x3FBA] =	sst s10  }
0x35: {  	s10 =	sld [smem:$0x3FB9];
	_ =	sdelay $0x3  }
0x36: {  	p1 =	seq.s32 s10, $0x1;
	s10 =	sld [smem:$0x3FBA];
	_ =	sdelay $0x3  }
0x37: {  	[smem:$0x3FBA] =	sst s10  }
0x38: {  	s10 =	sld [smem:$0x3FBB]  }
0x39: {  	_ = 	snop;
	(pc) =	sbr.ind lr, $3  }
0x3a: {  	_ = 	snop  }
0x3b: {  	_ = 	snop  }
0x3c: {  	p2 =	seq.s32 s10, $0x1;
	s10 =	sld [smem:$0x3FBA]  }
0x3d: {  	_ =	shalt  }
0x3e: {  	_ =	shalt  }
0x3f: {  	_ =	shalt  }
0x40: {  	_ =	shalt  }
0x41: {  	_ =	shalt  }
0x42: {  	_ =	shalt  }
0x43: {  	_ =	shalt  }
0x44: {  	_ =	shalt  }
0x45: {  	_ =	shalt  }
0x46: {  	_ =	shalt  }
0x47: {  	_ =	shalt  }
0x48: {  	_ =	shalt  }
0x49: {  	_ =	shalt  }
0x4a: {  	_ =	shalt  }
0x4b: {  	_ =	shalt  }
0x4c: {  	_ =	shalt  }
0x4d: {  	_ =	shalt  }
0x4e: {  	_ =	shalt  }
0x4f: {  	_ =	shalt  }
0x50: {  	_ =	shalt  }
0x51: {  	_ =	shalt  }
0x52: {  	_ =	shalt  }
0x53: {  	_ =	shalt  }
0x54: {  	_ =	shalt  }
0x55: {  	_ =	shalt  }
0x56: {  	_ =	shalt  }
0x57: {  	_ =	shalt  }
0x58: {  	_ =	shalt  }
0x59: {  	_ =	shalt  }
0x5a: {  	_ =	shalt  }
0x5b: {  	_ =	shalt  }
0x5c: {  	_ =	shalt  }
0x5d: {  	_ =	shalt  }
0x5e: {  	_ =	shalt  }
0x5f: {  	_ =	shalt  }
0x60: {  	_ =	shalt  }
0x61: {  	_ =	shalt  }
0x62: {  	_ =	shalt  }
0x63: {  	_ =	shalt  }
0x64: {  	_ =	shalt  }
0x65: {  	_ =	shalt  }
0x66: {  	_ =	shalt  }
0x67: {  	_ =	shalt  }
0x68: {  	_ =	shalt  }
0x69: {  	_ =	shalt  }
0x6a: {  	_ =	shalt  }
0x6b: {  	_ =	shalt  }
0x6c: {  	_ =	shalt  }
0x6d: {  	_ =	shalt  }
0x6e: {  	_ =	shalt  }
0x6f: {  	_ =	shalt  }
0x70: {  	_ =	shalt  }
0x71: {  	_ =	shalt  }
0x72: {  	_ =	shalt  }
0x73: {  	_ =	shalt  }
0x74: {  	_ =	shalt  }
0x75: {  	_ =	shalt  }
0x76: {  	_ =	shalt  }
0x77: {  	_ =	shalt  }
0x78: {  	_ =	shalt  }
0x79: {  	_ =	shalt  }
0x7a: {  	_ =	shalt  }
0x7b: {  	_ =	shalt  }
0x7c: {  	_ =	shalt  }
0x7d: {  	_ =	shalt  }
0x7e: {  	_ =	shalt  }
0x7f: {  	_ =	shalt  }
0x80: {  	_ =	shalt  }
0x81: {  	_ =	shalt  }
0x82: {  	_ =	shalt  }
0x83: {  	_ =	shalt  }
0x84: {  	_ =	shalt  }
0x85: {  	_ =	shalt  }
0x86: {  	_ =	shalt  }
0x87: {  	_ =	shalt  }
.Lfunc_end0:
.L_simem_size_0:
called_computation.1_lowered:
.L_overlay_start_0:
0x88: {  	s2 =	sld [smem:$0x3FD9]  }
0x89: {  	s3 =	sld [smem:$0x3FFE];
	_ =	sdelay $0x1  }
0x8a: {  	s1 =	srdreg.scid  }
0x8b: {  	s0 =	sand.u32 $0x1, s1  }
0x8c: {  	s17 =	sshll.u32 s0, $0xA;
	s2 =	sadd.s32 s3, s2  }
0x8d: {  	s2 =	sadd.s32 s2, s17  }
0x8e: {  	[smem:$0x3FC6] =	sst s2  }
0x8f: {  	_ = 	snop  }
0x90: {  	s2 =	sld [smem:$0x3FC9]  }
0x91: {  	s18 =	sld [smem:$0x3FD0];
	(tm) =	ssettm $0x1  }
0x92: {  	s4 =	sld [smem:$0x3FFB];
	_ =	sdelay $0x3  }
0x93: {  	_ =	strace s4  }
0x94: {  	s4 =	sld [smem:$0x3FFC];
	_ =	sdelay $0x3  }
0x95: {  	_ =	strace s4  }
0x96: {  	s4 =	sld [smem:$0x3FFD];
	_ =	sdelay $0x3  }
0x97: {  	_ =	strace s4  }
0x98: {  	_ =	strace $0x8FFFFFFF  }
0x99: {  	s19 =	sld [smem:$0x3FDB];
	_ =	sdelay $0x1  }
0x9a: {  	s5 =	simm.s32 $_scs_section_size  }
0x9b: {  	s6 =	simm.s32 $_size__tile_overlayer_lowered;
	s7 =	simm.s32 $_tile_overlayer_lowered  }
0x9c: {  	s22 =	simm.s32 $0x1BFF;
	s21 =	sshll.u32 s7, $0x1;
	s4 =	sadd.s32 s5, s19  }
0x9d: {  	s8 =	simm.s32 $0x0;
	s20 =	sshll.u32 s6, $0x1;
	s6 =	sadd.s32 s21, s4  }
0x9e: {  	[timem:s8], [sflag:s22] =	dma.local [hbm:s6], s20  }
0x9f: {  	_ =	swait.ge [sflag:s22], s20  }
0xa0: {  	s5 =	ssub.s32 $0x0, s20;
	[sflag:s22] =	ssyncset.done $0x0  }
0xa1: {  	[sflag:s22] =	ssyncadd.s32 s5;
	_ =	sdelay $0x1  }
0xa2: {  	s23 =	simm.s32 $0x1B8B  }
0xa3: {  	_ =	swait.ge [sflag:s23], $0x1  }
0xa4: {  	[sflag:s23] =	ssyncset.done $0x0  }
0xa5: {  	s25 =	simm.s32 $0x1B8E;
	s24 =	sld [smem:$0x3FFE];
	[sflag:s23] =	ssyncadd.s32 $0xFFFFFFFF  }
0xa6: {  	s26 =	simm.s32 $execute0_lowered;
	[smem:$0x3FD2] =	sst s25  }
0xa7: {  	s6 =	sshll.u32 s26, $0x1;
	_ =	strace $0x80000046;
	[dreg:$0x1] =	wrdreg $0xFFFFFFFF  }
0xa8: {  	s28 =	simm.s32 $_size_execute0_lowered;
	s4 =	sadd.s32 s4, s6;
	[dreg:$0x0] =	wrdreg $0x0  }
0xa9: {  	s6 =	sshll.u32 s28, $0x1;
	[dreg:$0x2] =	wrdreg s4  }
0xaa: {  	[dreg:$0x3] =	wrdreg s6  }
0xab: {  	[dreg:$0x4] =	wrdreg $0xC0  }
0xac: {  	_ =	task [dreg:s8], $0x5FFFF  }
0xad: {  	[dreg:$0x1] =	wrdreg $0xFFFFFFFF  }
0xae: {  	[dreg:$0x0] =	wrdreg $0x60  }
0xaf: {  	[dreg:$0x2] =	wrdreg s2  }
0xb0: {  	[dreg:$0x3] =	wrdreg s24  }
0xb1: {  	[dreg:$0x4] =	wrdreg s18  }
0xb2: {  	[dreg:$0x5] =	wrdreg $0x9  }
0xb3: {  	_ =	task.clear_ibuf [dreg:s8], $0x6FFFF;
	_ =	strace $0x90000046  }
0xb4: {  	s29 =	simm.s32 $0x9;
	_ =	strace $0x80000048  }
0xb5: {  	_ =	swait.ge [sflag:s29], $0x1  }
0xb6: {  	[sflag:s29] =	ssyncadd.s32 $0xFFFFFFFF  }
0xb7: {  	_ =	strace $0x90000048  }
0xb8: {  	_ =	sfence  }
0xb9: {  	s30 =	sld [smem:$0x0];
	_ =	sdelay $0x2  }
0xba: {  	s31 =	sshll.u32 s1, $0xD;
	s1 =	sshrl.u32 s1, $0x2  }
0xbb: {  	s3 =	sand.u32 $0x4000, s31;
	s1 =	sadd.s32 s1, s30  }
0xbc: {  	s0 =	sor.u32 s3, s0;
	s1 =	sshll.u32 s1, $0x11  }
0xbd: {  	s0 =	sor.u32 s1, s0  }
0xbe: {  	s0 =	sadd.s32 $0x8F2B, s0  }
0xbf: {  	[sflag:s0] =	ssyncadd.remote.s32 $0x1  }
0xc0: {  	_ =	sfence.sel $0xFFFF  }
0xc1: {  	[dreg:$0x0] =	wrdreg $0xFFFFFFFF;
	(pc) =	sbr.abs _section_cstart, $3  }
0xc2: {  	[dreg:$0x1] =	wrdreg $0xFFFFFFFF  }
0xc3: {  	_ =	task.clear_ibuf [dreg:s8], $0x2FFFF;
	_ =	strace $0x9FFFFFFF  }
0xc4: {  	(tm) =	ssettm $0x7FFFFFFF  }
0xc5: {  	_ =	shalt  }
tec
execute0_lowered:
.L_overlay_start_1:
0x0: {  	(tag) =	ssettag $0x1  }
0x1: {  	s0 =	rddreg [dreg:$0x0]  }
0x2: {  	s1 =	rddreg [dreg:$0x1]  }
0x3: {  	s12 =	rddreg [dreg:$0x2];
	s2 =	srdreg.scid  }
0x4: {  	s14 =	stileid.u32;
	s15 =	simm.s32 $0x6400;
	s16 =	simm.s32 $0x8400  }
0x5: {  	s18 =	simm.s32 $0xA400;
	s20 =	simm.s32 $0xC400;
	s21 =	simm.s32 $0x1  }
0x6: {  	s28 =	simm.s32 $0x7;
	s29 =	simm.s32 $0x8;
	s11 =	smul.u32 $0xC8, s14  }
0x7: {  	s30 =	simm.s32 $0x0;
	s9 =	sand.u32 $0x1, s2;
	s26 =	smul.u32 $0x32000, s14  }
0x8: {  	s2 =	simm.s32 $0x0;
	s3 =	sshll.u32 s9, $0x4;
	s8 =	smul.u32 $0xC80, s9  }
0x9: {  	[smem:$0x7FF] =	sst s2;
	s23 =	ssub.s32 $0x2, s9;
	s25 =	smul.u32 $0x320000, s9  }
0xa: {  	s4 =	sor.u32 s14, s3;
	_ =	strace $0x80000047;
	s3 =	sadd.s32 $0xF42C00, s1  }
0xb: {  	s6 =	sshrl.u32 s23, $0x1;
	s14 =	simm.s32 $0x80;
	s5 =	smul.u32 $0x190000, s4  }
0xc: {  	s22 =	smul.u32 $0xC80, s4;
	s13 =	ssub.s32 s23, s6;
	s24 =	sadd.s32 s11, s8  }
0xd: {  	s31 =	sadd.s32 s25, s12;
	s23 =	simm.s32 $0x3;
	s25 =	simm.s32 $0x5  }
0xe: {  	s9 =	smax.u32 s13, $0x1;
	s13 =	simm.s32 $0x9;
	s5 =	sshrl.u32 s5, $0x3  }
0xf: {  	s0 =	sadd.s32 s0, s22;
	s22 =	simm.s32 $0x2;
	s10 =	sadd.s32 s12, s5  }
0x10: {  	[dreg:$0x4] =	wrdreg s0;
	s0 =	sshll.u32 s24, $0xA;
	s24 =	simm.s32 $0x4  }
0x11: {  	s5 =	sadd.s32 $0x31000, s10;
	s6 =	sadd.s32 $0x31400, s10;
	s7 =	sadd.s32 $0x31800, s10  }
0x12: {  	s8 =	sadd.s32 $0x31C00, s10;
	s0 =	sadd.s32 s0, s12;
	s12 =	sadd.s32 s26, s31  }
0x13: {  	s26 =	simm.s32 $0x6;
	s10 =	sadd.s32 $0xC00, s0;
	s11 =	sadd.s32 $0x800, s0  }
.LBB2_1:
0x14: {  	s0 =	rddreg [dreg:$0x4]  }
0x15: {  	[tilespmem:s2], [sflag:$0x9] =	stream.linear.gather [hbm4b:s0+s2], $0x6400, $0x38;
	[tilespmem:$0xE400] =	vst v63  }
0x16: {  	_ =	swait.ge [sflag:s13], $0x6400  }
0x17: {  	[sflag:s13] =	ssyncset.done $0x0  }
0x18: {  	[sflag:s13] =	ssyncadd.s32 $0xFFFF9C00  }
0x19: {  	[tilespmem:s15], [sflag:$0x1] =	stream.indirect.gather [hbm4b:s3+s14], $0x40, s2, s14, $0xb8;
	[tilespmem:$0xE400] =	vst v63  }
0x1a: {  	_ = 	snop  }
0x1b: {  	[tilespmem:s16], [sflag:$0x2] =	stream.indirect.gather [hbm4b:s3+s14], $0x40, s14, s14, $0xb8;
	[tilespmem:$0xE400] =	vst v63  }
0x1c: {  	s17 =	simm.s32 $0x100  }
0x1d: {  	[tilespmem:s18], [sflag:$0x3] =	stream.indirect.gather [hbm4b:s3+s14], $0x40, s17, s14, $0xb8;
	[tilespmem:$0xE400] =	vst v63  }
0x1e: {  	s19 =	simm.s32 $0x180  }
0x1f: {  	[tilespmem:s20], [sflag:$0x4] =	stream.indirect.gather [hbm4b:s3+s14], $0x40, s19, s14, $0xb8;
	[tilespmem:$0xE400] =	vst v63  }
0x20: {  	_ =	swait.ge [sflag:s21], $0x2000  }
0x21: {  	[sflag:s21] =	ssyncset.done $0x0  }
0x22: {  	[sflag:s21] =	ssyncadd.s32 $0xFFFFE000  }
0x23: {  	[hbm4b:s12+s2] =	stream.linear.scatter [tilespmem:s15], [sflag:$0x5], $0x2000, $0x38;
	[tilespmem:$0xE400] =	vst v63  }
0x24: {  	_ =	swait.ge [sflag:s22], $0x2000  }
0x25: {  	[sflag:s22] =	ssyncset.done $0x0  }
0x26: {  	s1 =	sadd.s32 $0xFFFFF800, s10;
	[sflag:s22] =	ssyncadd.s32 $0xFFFFE000  }
0x27: {  	[hbm4b:s1+s2] =	stream.linear.scatter [tilespmem:s16], [sflag:$0x6], $0x2000, $0x38;
	[tilespmem:$0xE400] =	vst v63  }
0x28: {  	_ =	swait.ge [sflag:s23], $0x2000  }
0x29: {  	[sflag:s23] =	ssyncset.done $0x0  }
0x2a: {  	[sflag:s23] =	ssyncadd.s32 $0xFFFFE000  }
0x2b: {  	[hbm4b:s11+s2] =	stream.linear.scatter [tilespmem:s18], [sflag:$0x7], $0x2000, $0x38;
	[tilespmem:$0xE400] =	vst v63  }
0x2c: {  	_ =	swait.ge [sflag:s24], $0x2000  }
0x2d: {  	[sflag:s24] =	ssyncset.done $0x0  }
0x2e: {  	[sflag:s24] =	ssyncadd.s32 $0xFFFFE000  }
0x2f: {  	[hbm4b:s10+s2] =	stream.linear.scatter [tilespmem:s20], [sflag:$0x8], $0x2000, $0x38;
	[tilespmem:$0xE400] =	vst v63  }
0x30: {  	_ =	swait.ge [sflag:s25], $0x2000  }
0x31: {  	[sflag:s25] =	ssyncset.done $0x0  }
0x32: {  	s4 =	simm.s32 $0x200;
	[sflag:s25] =	ssyncadd.s32 $0xFFFFE000  }
0x33: {  	[tilespmem:s15], [sflag:$0x1] =	stream.indirect.gather [hbm4b:s3+s14], $0x40, s4, s14, $0xb8;
	[tilespmem:$0xE400] =	vst v63  }
0x34: {  	_ =	swait.ge [sflag:s26], $0x2000  }
0x35: {  	[sflag:s26] =	ssyncset.done $0x0  }
0x36: {  	s17 =	simm.s32 $0x280;
	[sflag:s26] =	ssyncadd.s32 $0xFFFFE000  }
0x37: {  	[tilespmem:s16], [sflag:$0x2] =	stream.indirect.gather [hbm4b:s3+s14], $0x40, s17, s14, $0xb8;
	[tilespmem:$0xE400] =	vst v63  }
0x38: {  	_ =	swait.ge [sflag:s28], $0x2000  }
0x39: {  	[sflag:s28] =	ssyncset.done $0x0  }
0x3a: {  	s19 =	simm.s32 $0x300;
	[sflag:s28] =	ssyncadd.s32 $0xFFFFE000  }
0x3b: {  	[tilespmem:s18], [sflag:$0x3] =	stream.indirect.gather [hbm4b:s3+s14], $0x40, s19, s14, $0xb8;
	[tilespmem:$0xE400] =	vst v63  }
0x3c: {  	s31 =	simm.s32 $0x800;
	_ =	swait.ge [sflag:s29], $0x2000  }
0x3d: {  	s0 =	sadd.s32 $0x1000, s11;
	s1 =	sadd.s32 $0x1000, s12;
	[sflag:s29] =	ssyncset.done $0x0  }
0x3e: {  	s17 =	sadd.s32 $0x1000, s10;
	s19 =	simm.s32 $0x380;
	[sflag:s29] =	ssyncadd.s32 $0xFFFFE000  }
.LBB2_2:
0x3f: {  	[tilespmem:s20], [sflag:$0x4] =	stream.indirect.gather [hbm4b:s3+s14], $0x40, s19, s14, $0xb8;
	[tilespmem:$0xE400] =	vst v63  }
0x40: {  	s19 =	smov.u32 s31  }
0x41: {  	p0 =	sne.s32 s31, $0x18000;
	s31 =	sadd.s32 $0x800, s31;
	_ =	swait.ge [sflag:s21], $0x2000  }
0x42: {  	[sflag:s21] =	ssyncset.done $0x0  }
0x43: {  	[sflag:s21] =	ssyncadd.s32 $0xFFFFE000  }
0x44: {  	[hbm4b:s1+s2] =	stream.linear.scatter [tilespmem:s15], [sflag:$0x5], $0x2000, $0x38;
	[tilespmem:$0xE400] =	vst v63  }
0x45: {  	_ =	swait.ge [sflag:s22], $0x2000  }
0x46: {  	[sflag:s22] =	ssyncset.done $0x0  }
0x47: {  	s4 =	sadd.s32 $0xFFFFF800, s17;
	[sflag:s22] =	ssyncadd.s32 $0xFFFFE000  }
0x48: {  	[hbm4b:s4+s2] =	stream.linear.scatter [tilespmem:s16], [sflag:$0x6], $0x2000, $0x38;
	[tilespmem:$0xE400] =	vst v63  }
0x49: {  	_ =	swait.ge [sflag:s23], $0x2000  }
0x4a: {  	[sflag:s23] =	ssyncset.done $0x0  }
0x4b: {  	[sflag:s23] =	ssyncadd.s32 $0xFFFFE000  }
0x4c: {  	[hbm4b:s0+s2] =	stream.linear.scatter [tilespmem:s18], [sflag:$0x7], $0x2000, $0x38;
	[tilespmem:$0xE400] =	vst v63  }
0x4d: {  	_ =	swait.ge [sflag:s24], $0x2000  }
0x4e: {  	[sflag:s24] =	ssyncset.done $0x0  }
0x4f: {  	[sflag:s24] =	ssyncadd.s32 $0xFFFFE000  }
0x50: {  	[hbm4b:s17+s2] =	stream.linear.scatter [tilespmem:s20], [sflag:$0x8], $0x2000, $0x38;
	[tilespmem:$0xE400] =	vst v63  }
0x51: {  	_ =	swait.ge [sflag:s25], $0x2000  }
0x52: {  	s4 =	sshra.s32 s19, $0x2;
	[sflag:s25] =	ssyncset.done $0x0  }
0x53: {  	s19 =	sadd.s32 $0x200, s4;
	[sflag:s25] =	ssyncadd.s32 $0xFFFFE000  }
0x54: {  	[tilespmem:s15], [sflag:$0x1] =	stream.indirect.gather [hbm4b:s3+s14], $0x40, s19, s14, $0xb8;
	[tilespmem:$0xE400] =	vst v63  }
0x55: {  	_ =	swait.ge [sflag:s26], $0x2000  }
0x56: {  	[sflag:s26] =	ssyncset.done $0x0  }
0x57: {  	s19 =	sadd.s32 $0x280, s4;
	[sflag:s26] =	ssyncadd.s32 $0xFFFFE000  }
0x58: {  	[tilespmem:s16], [sflag:$0x2] =	stream.indirect.gather [hbm4b:s3+s14], $0x40, s19, s14, $0xb8;
	[tilespmem:$0xE400] =	vst v63  }
0x59: {  	_ =	swait.ge [sflag:s28], $0x2000  }
0x5a: {  	[sflag:s28] =	ssyncset.done $0x0  }
.Ltmp0:
0x5b: {  	s19 =	sadd.s32 $0x300, s4;
	[sflag:s28] =	ssyncadd.s32 $0xFFFFE000;
	(pc) =	sbr.rel @p0 .LBB2_2-.Ltmp0, $4  }
0x5c: {  	[tilespmem:s18], [sflag:$0x3] =	stream.indirect.gather [hbm4b:s3+s14], $0x40, s19, s14, $0xb8;
	[tilespmem:$0xE400] =	vst v63  }
0x5d: {  	_ =	swait.ge [sflag:s29], $0x2000  }
0x5e: {  	s1 =	sadd.s32 $0x1000, s1;
	s0 =	sadd.s32 $0x1000, s0;
	[sflag:s29] =	ssyncset.done $0x0  }
0x5f: {  	s17 =	sadd.s32 $0x1000, s17;
	s19 =	sadd.s32 $0x380, s4;
	[sflag:s29] =	ssyncadd.s32 $0xFFFFE000  }
0x60: {  	[tilespmem:s20], [sflag:$0x4] =	stream.indirect.gather [hbm4b:s3+s14], $0x40, s19, s14, $0xb8;
	[tilespmem:$0xE400] =	vst v63  }
0x61: {  	_ =	swait.ge [sflag:s21], $0x2000  }
0x62: {  	[sflag:s21] =	ssyncset.done $0x0  }
0x63: {  	[sflag:s21] =	ssyncadd.s32 $0xFFFFE000  }
0x64: {  	[hbm4b:s5+s2] =	stream.linear.scatter [tilespmem:s15], [sflag:$0x5], $0x2000, $0x38;
	[tilespmem:$0xE400] =	vst v63  }
0x65: {  	_ =	swait.ge [sflag:s22], $0x2000  }
0x66: {  	[sflag:s22] =	ssyncset.done $0x0  }
0x67: {  	[sflag:s22] =	ssyncadd.s32 $0xFFFFE000  }
0x68: {  	[hbm4b:s6+s2] =	stream.linear.scatter [tilespmem:s16], [sflag:$0x6], $0x2000, $0x38;
	[tilespmem:$0xE400] =	vst v63  }
0x69: {  	_ =	swait.ge [sflag:s23], $0x2000  }
0x6a: {  	[sflag:s23] =	ssyncset.done $0x0  }
0x6b: {  	[sflag:s23] =	ssyncadd.s32 $0xFFFFE000  }
0x6c: {  	[hbm4b:s7+s2] =	stream.linear.scatter [tilespmem:s18], [sflag:$0x7], $0x2000, $0x38;
	[tilespmem:$0xE400] =	vst v63  }
0x6d: {  	_ =	swait.ge [sflag:s24], $0x2000  }
0x6e: {  	[sflag:s24] =	ssyncset.done $0x0  }
0x6f: {  	[sflag:s24] =	ssyncadd.s32 $0xFFFFE000  }
0x70: {  	[hbm4b:s8+s2] =	stream.linear.scatter [tilespmem:s20], [sflag:$0x8], $0x2000, $0x38;
	[tilespmem:$0xE400] =	vst v63  }
0x71: {  	_ =	swait.ge [sflag:s25], $0x2000  }
0x72: {  	[sflag:s25] =	ssyncset.done $0x0  }
0x73: {  	[sflag:s25] =	ssyncadd.s32 $0xFFFFE000  }
0x74: {  	_ =	swait.ge [sflag:s26], $0x2000  }
0x75: {  	[sflag:s26] =	ssyncset.done $0x0  }
0x76: {  	s30 =	sadd.s32 $0x1, s30;
	[sflag:s26] =	ssyncadd.s32 $0xFFFFE000  }
0x77: {  	p0 =	sne.s32 s30, s9;
	_ =	swait.ge [sflag:s28], $0x2000  }
.Ltmp1:
0x78: {  	[sflag:s28] =	ssyncset.done $0x0;
	(pc) =	sbr.rel @p0 .LBB2_1-.Ltmp1, $4  }
0x79: {  	[sflag:s28] =	ssyncadd.s32 $0xFFFFE000  }
0x7a: {  	_ =	swait.ge [sflag:s29], $0x2000  }
0x7b: {  	[sflag:s29] =	ssyncset.done $0x0  }
0x7c: {  	[sflag:s29] =	ssyncadd.s32 $0xFFFFE000  }
0x7d: {  	_ =	sfence.sel $0x180000  }
0x7e: {  	[bflag:$0x0] =	sbarrier.arrive $0xFFFF  }
0x7f: {  	_ =	strace $0x90000047  }
0x80: {  	s0 =	stileid.u32;
	[bflag:$0x2] =	sbarrier.arrive $0xFFFF  }
0x81: {  	p0 =	sne.s32 s0, $0x0;
	s0 =	rddreg [dreg:$0x3]  }
0x82: {  	s0 =	sadd.s32 @!p0 $0x100000, s0  }
0x83: {  	[sflag:s0] =	ssyncadd.tile.s32 @!p0 $0x1;
	_ =	shalt  }
.Lfunc_end2:
_tile_overlayer_lowered:
.L_overlay_start_2:
0x84: {  	(tag) =	ssettag $0x2  }
0x85: {  	s0 =	rddreg [dreg:$0x0];
	s2 =	stileid.u32  }
0x86: {  	s1 =	rddreg [dreg:$0x1];
	p0 =	sne.s32 s2, $0x0  }
0x87: {  	s3 =	rddreg [dreg:$0x2];
	[bflag:$0x3] =	sbarrier.arrive $0xFFFF;
	s2 =	simm.s32 @!p0 $0x1C09  }
0x88: {  	[timem:s3], [sflag:s2] =	dma.local @!p0 [hbm:s0], s1  }
0x89: {  	s0 =	simm.s32 @!p0 $0x9  }
0x8a: {  	_ =	swait.ge @!p0 [sflag:s0], s1  }
0x8b: {  	s1 =	ssub.s32 @!p0 $0x0, s1;
	[sflag:s0] =	ssyncset.done @!p0 $0x0  }
0x8c: {  	[sflag:s0] =	ssyncadd.s32 @!p0 s1  }
0x8d: {  	[bflag:$0x3] =	sbarrier.arrive $0xFFFF  }
0x8e: {  	_ =	shalt  }

// kernel: sparse-core-data-format-call.cloned.1.call-start
scs
called_computation_lowered:
.L_overlay_start_0:
0x0: {  	s2 =	sld [smem:$0x3FD9]  }
0x1: {  	s3 =	sld [smem:$0x3FFE];
	_ =	sdelay $0x1  }
0x2: {  	s1 =	srdreg.scid  }
0x3: {  	s0 =	sand.u32 $0x1, s1  }
0x4: {  	s18 =	sshll.u32 s0, $0xA;
	s2 =	sadd.s32 s3, s2  }
0x5: {  	s2 =	sadd.s32 s2, s18  }
0x6: {  	[smem:$0x3FC6] =	sst s2  }
0x7: {  	_ = 	snop  }
0x8: {  	s2 =	sld [smem:$0x3FD0];
	(tm) =	ssettm $0x1  }
0x9: {  	s19 =	sld [smem:$0x3FFB];
	_ =	sdelay $0x3  }
0xa: {  	_ =	strace s19  }
0xb: {  	s3 =	sld [smem:$0x3FFC];
	_ =	sdelay $0x3  }
0xc: {  	_ =	strace s3  }
0xd: {  	s3 =	sld [smem:$0x3FFD];
	_ =	sdelay $0x3  }
0xe: {  	_ =	strace s3  }
0xf: {  	_ =	strace $0x8FFFFFFF  }
0x10: {  	s20 =	sld [smem:$0x3FDB];
	_ =	sdelay $0x1  }
0x11: {  	s4 =	simm.s32 $_scs_section_size  }
0x12: {  	s5 =	simm.s32 $_size__tile_overlayer_lowered;
	s6 =	simm.s32 $_tile_overlayer_lowered  }
0x13: {  	s23 =	simm.s32 $0x1BFF;
	s22 =	sshll.u32 s6, $0x1;
	s3 =	sadd.s32 s4, s20  }
0x14: {  	s7 =	simm.s32 $0x0;
	s21 =	sshll.u32 s5, $0x1;
	s5 =	sadd.s32 s22, s3  }
0x15: {  	[timem:s7], [sflag:s23] =	dma.local [hbm:s5], s21  }
0x16: {  	_ =	swait.ge [sflag:s23], s21  }
0x17: {  	s4 =	ssub.s32 $0x0, s21;
	[sflag:s23] =	ssyncset.done $0x0  }
0x18: {  	[sflag:s23] =	ssyncadd.s32 s4;
	_ =	sdelay $0x1  }
0x19: {  	s24 =	simm.s32 $0x1B8B  }
0x1a: {  	_ =	swait.ge [sflag:s24], $0x1  }
0x1b: {  	[sflag:s24] =	ssyncset.done $0x0  }
0x1c: {  	s26 =	simm.s32 $0x1B8E;
	s25 =	sld [smem:$0x3FFE];
	[sflag:s24] =	ssyncadd.s32 $0xFFFFFFFF  }
0x1d: {  	s27 =	simm.s32 $execute0_lowered;
	[smem:$0x3FD2] =	sst s26  }
0x1e: {  	s5 =	sshll.u32 s27, $0x1;
	_ =	strace $0x80000049;
	[dreg:$0x1] =	wrdreg $0xFFFFFFFF  }
0x1f: {  	s28 =	simm.s32 $_size_execute0_lowered;
	s3 =	sadd.s32 s3, s5;
	[dreg:$0x0] =	wrdreg $0x0  }
0x20: {  	s5 =	sshll.u32 s28, $0x1;
	[dreg:$0x2] =	wrdreg s3  }
0x21: {  	[dreg:$0x3] =	wrdreg s5  }
0x22: {  	[dreg:$0x4] =	wrdreg $0xC0  }
0x23: {  	_ =	task [dreg:s7], $0x5FFFF  }
0x24: {  	[dreg:$0x1] =	wrdreg $0xFFFFFFFF  }
0x25: {  	[dreg:$0x0] =	wrdreg $0x60  }
0x26: {  	[dreg:$0x2] =	wrdreg s25  }
0x27: {  	[dreg:$0x3] =	wrdreg s2  }
0x28: {  	[dreg:$0x4] =	wrdreg $0x9  }
0x29: {  	_ =	task.clear_ibuf [dreg:s7], $0x5FFFF;
	_ =	strace $0x90000049  }
0x2a: {  	s29 =	simm.s32 $0x9;
	_ =	strace $0x8000004B  }
0x2b: {  	_ =	swait.ge [sflag:s29], $0x1  }
0x2c: {  	[sflag:s29] =	ssyncadd.s32 $0xFFFFFFFF  }
0x2d: {  	_ =	strace $0x9000004B  }
0x2e: {  	_ =	sfence  }
0x2f: {  	s30 =	sld [smem:$0x0];
	_ =	sdelay $0x2  }
0x30: {  	s31 =	sshll.u32 s1, $0xD;
	s1 =	sshrl.u32 s1, $0x2  }
0x31: {  	s3 =	sand.u32 $0x4000, s31;
	s1 =	sadd.s32 s1, s30  }
0x32: {  	s0 =	sor.u32 s3, s0;
	s1 =	sshll.u32 s1, $0x11  }
0x33: {  	s0 =	sor.u32 s1, s0  }
0x34: {  	s0 =	sadd.s32 $0x8F2B, s0  }
0x35: {  	[sflag:s0] =	ssyncadd.remote.s32 $0x1  }
0x36: {  	_ =	sfence.sel $0xFFFF  }
0x37: {  	[dreg:$0x0] =	wrdreg $0xFFFFFFFF;
	(pc) =	sbr.abs _section_cstart, $3  }
0x38: {  	[dreg:$0x1] =	wrdreg $0xFFFFFFFF  }
0x39: {  	_ =	task.clear_ibuf [dreg:s7], $0x2FFFF;
	_ =	strace $0x9FFFFFFF  }
0x3a: {  	(tm) =	ssettm $0x7FFFFFFF  }
0x3b: {  	_ =	shalt  }
tec
execute0_lowered:
.L_overlay_start_1:
0x0: {  	(tag) =	ssettag $0x1  }
0x1: {  	s0 =	srdreg.scid  }
0x2: {  	s1 =	sshll.u32 s0, $0x4  }
0x3: {  	s4 =	rddreg [dreg:$0x0];
	s0 =	stileid.u32;
	s1 =	sand.u32 $0x10, s1  }
0x4: {  	s2 =	rddreg [dreg:$0x1];
	s7 =	simm.s32 $0x1;
	s1 =	sor.u32 s0, s1  }
0x5: {  	s8 =	simm.s32 $0x2;
	s11 =	simm.s32 $0x0;
	s3 =	sshll.u32 s1, $0x1  }
0x6: {  	s10 =	simm.s32 $0x0;
	s4 =	sadd.s32 $0x800, s4;
	s6 =	ssub.s32 $0x1900, s3  }
.Ltmp0:
0x7: {  	s1 =	rddreg [dreg:$0x2];
	s5 =	sand.u32 $0x3E, s6;
	(pc) =	sbr.rel .LBB1_1-.Ltmp0, $4  }
0x8: {  	_ =	strace $0x8000004A;
	s9 =	smov.u32 s3;
	p0 =	sne.s32 s5, $0x0  }
0x9: {  	s6 =	sshrl.u32 s6, $0x6;
	s5 =	simm.s32 $0x1;
	s7 =	simm.s32 @!p0 $0x0  }
0xa: {  	[sflag:s5] =	ssyncpa.u1 $0x0;
	p0 =	por $0x0, $0x0;
	s6 =	sadd.s32 s7, s6  }
0xb: {  	[sflag:s8] =	ssyncpa.u1 $0x0;
	s8 =	simm.s32 $0x0;
	s7 =	sadd.s32 $0x1, s6  }
.LBB1_7:
0xc: {  	s13 =	sadd.s32 $0x40, s9  }
0xd: {  	p2 =	sgt.s32 s13, $0x18FF  }
0xe: {  	s13 =	smov.u32 @p2 s3;
	p2 =	sne.s32 s10, s7  }
.Ltmp1:
0xf: {  	p1 =	slt.u32 s10, $0x2;
	(pc) =	sbr.rel @!p2 .LBB1_8-.Ltmp1, $4  }
0x10: {  	s12 =	simm.s32 @!p1 $0x2  }
0x11: {  	s14 =	sadd.s32 $0x1, s10;
	_ =	swait.ge @!p1 [sflag:s12], $0x4000  }
0x12: {  	s11 =	smov.u32 s9;
	p0 =	por !p0, !p0;
	[sflag:s12] =	ssyncset.done @!p1 $0x0  }
0x13: {  	s10 =	smov.u32 s14;
	s9 =	smov.u32 s13;
	[sflag:s12] =	ssyncadd.s32 @!p1 $0xFFFFC000  }
.LBB1_1:
0x14: {  	p1 =	sge.u32 s10, s6  }
0x15: {  	s31 =	sadd.s32 $0xFFFFFFFF, s10;
	s12 =	sxor.u32 @!p1 $0xFFFFFFFF, s10  }
0x16: {  	s13 =	sshll.u32 @!p1 s9, $0xB;
	s14 =	simm.s32 @!p1 $0x40;
	s12 =	sshll.u32 @!p1 s12, $0xE  }
0x17: {  	s15 =	simm.s32 @!p1 $0x80;
	s13 =	sadd.s32 @!p1 s4, s13;
	s12 =	sand.u32 @!p1 $0x4000, s12  }
0x18: {  	[tilespmem:s12], [sflag:$0x1] =	stream.strided.gather @!p1 [hbm4b:s13+s14], $0x4000, s15, s14, $0x38;
	[tilespmem:$0x10100] =	vst v63  }
0x19: {  	p1 =	sge.u32 s31, s6  }
.Ltmp2:
0x1a: {  	_ = 	snop;
	(pc) =	sbr.rel @p1 .LBB1_7-.Ltmp2, $1  }
0x1b: {  	_ =	sdelay $0x3  }
0x1c: {  	s12 =	simm.s32 $0x1;
	s14 =	sand.u32 $0x1, s10  }
0x1d: {  	_ =	swait.ge [sflag:s5], $0x4000;
	s12 =	simm.s32 @!p0 $0x0;
	s14 =	smul.u32 $0x10200, s14  }
0x1e: {  	p2 =	por $0x1, $0x1;
	[sflag:s5] =	ssyncset.done $0x0;
	s13 =	smul.u32 $0x10200, s12  }
0x1f: {  	s15 =	sshll.u32 s12, $0x10;
	[sflag:s5] =	ssyncadd.s32 $0xFFFFC000;
	s30 =	sshrl.u32 s14, $0x2  }
0x20: {  	s31 =	sshrl.u32 s15, $0x2;
	s15 =	simm.s32 $0x0;
	s13 =	sshrl.u32 s13, $0x2  }
0x21: {  	s12 =	sor.u32 $0x8000, s30;
	s14 =	sadd.s32 $0x20, s31;
	s13 =	sor.u32 $0x8000, s13  }
.LBB1_3:
0x22: {  	s16 =	sshll.u32 s15, $0xD  }
0x23: {  	s16 =	sand.u32 $0x3FFFE000, s16  }
0x24: {  	s18 =	sadd.s32 s16, s14  }
0x25: {  	s31 =	smul.u32 $0x8100, s15;
	v3 =	vld [tilespmem:s18+$0x10]  }
0x26: {  	v1 =	vld [tilespmem:s18+$0xFFFFFFF0]  }
0x27: {  	s15 =	sshra.s32 s31, $0x2;
	v0 =	vld [tilespmem:s18+$0x0]  }
0x28: {  	s15 =	sadd.s32 s15, s13;
	v2 =	vld [tilespmem:s18+$0xFFFFFFE0]  }
0x29: {  	s16 =	sadd.s32 $0x0, s15  }
0x2a: {  	p1 =	por p2, p2;
	s17 =	simm.s32 $0x4;
	s18 =	sadd.s32 $0x40, s18;
	[tilespmem:s16+$0x1830 ss:$0x81] =	vst.msk $0xffff, v3  }
.LBB1_4:
0x2b: {  	v3 =	vld [tilespmem:s18+$0x10];
	p2 =	sne.s32 s17, $0x1FC;
	[tilespmem:s16+$0x810 ss:$0x81] =	vst.msk $0xffff, v1;
	s19 =	smov.u32 s17;
	s17 =	sadd.s32 $0x4, s17  }
.Ltmp3:
0x2c: {  	v1 =	vld [tilespmem:s18+$0xFFFFFFF0];
	[tilespmem:s16+$0x1020 ss:$0x81] =	vst.msk $0xffff, v0;
	(pc) =	sbr.rel @p2 .LBB1_4-.Ltmp3, $4  }
0x2d: {  	v0 =	vld [tilespmem:s18+$0x0];
	[tilespmem:s16+$0x0 ss:$0x81] =	vst.msk $0xffff, v2  }
0x2e: {  	s16 =	sshra.s32 s19, $0x2;
	v2 =	vld [tilespmem:s18+$0xFFFFFFE0]  }
0x2f: {  	s16 =	sadd.s32 s16, s15  }
0x30: {  	s18 =	sadd.s32 $0x40, s18;
	[tilespmem:s16+$0x1830 ss:$0x81] =	vst.msk $0xffff, v3  }
.Ltmp4:
0x31: {  	(pc) =	sbr.rel @p1 .LBB1_3-.Ltmp4, $4  }
0x32: {  	_ = 	snop  }
0x33: {  	[tilespmem:s16+$0x810 ss:$0x81] =	vst.msk $0xffff, v1  }
0x34: {  	[tilespmem:s16+$0x1020 ss:$0x81] =	vst.msk $0xffff, v0  }
0x35: {  	s15 =	simm.s32 $0x1;
	p2 =	por $0x0, $0x0;
	[tilespmem:s16+$0x0 ss:$0x81] =	vst.msk $0xffff, v2  }
.Ltmp5:
0x36: {  	(pc) =	sbr.rel .LBB1_7-.Ltmp5, $4  }
0x37: {  	_ = 	snop  }
0x38: {  	s11 =	sshll.u32 s11, $0xA  }
0x39: {  	s11 =	sadd.s32 s2, s11  }
0x3a: {  	[hbm4b:s11+s8] =	stream.linear.scatter [tilespmem:s12], [sflag:$0x2], $0x4000, $0x20;
	[tilespmem:$0x10100] =	vst v63  }
.LBB1_8:
0x3b: {  	_ =	sfence.sel $0x180000  }
0x3c: {  	s2 =	simm.s32 $0x1;
	[bflag:$0x0] =	sbarrier.arrive $0xFFFF  }
0x3d: {  	s31 =	simm.s32 $0x2;
	[sflag:s2] =	ssyncpa.u1 $0x1  }
0x3e: {  	[sflag:s31] =	ssyncpa.u1 $0x1  }
0x3f: {  	p0 =	sne.s32 s0, $0x0;
	_ =	strace $0x9000004A  }
0x40: {  	s0 =	sadd.s32 @!p0 $0x100000, s1;
	[bflag:$0x2] =	sbarrier.arrive $0xFFFF  }
0x41: {  	[sflag:s0] =	ssyncadd.tile.s32 @!p0 $0x1;
	_ =	shalt  }
.Lfunc_end1:
_tile_overlayer_lowered:
.L_overlay_start_2:
0x42: {  	(tag) =	ssettag $0x2  }
0x43: {  	s0 =	rddreg [dreg:$0x0];
	s2 =	stileid.u32  }
0x44: {  	s1 =	rddreg [dreg:$0x1];
	p0 =	sne.s32 s2, $0x0  }
0x45: {  	s3 =	rddreg [dreg:$0x2];
	[bflag:$0x3] =	sbarrier.arrive $0xFFFF;
	s2 =	simm.s32 @!p0 $0x1C01  }
0x46: {  	[timem:s3], [sflag:s2] =	dma.local @!p0 [hbm:s0], s1  }
0x47: {  	s0 =	simm.s32 @!p0 $0x1  }
0x48: {  	_ =	swait.ge @!p0 [sflag:s0], s1  }
0x49: {  	s1 =	ssub.s32 @!p0 $0x0, s1;
	[sflag:s0] =	ssyncset.done @!p0 $0x0  }
0x4a: {  	[sflag:s0] =	ssyncadd.s32 @!p0 s1  }
0x4b: {  	[bflag:$0x3] =	sbarrier.arrive $0xFFFF  }
0x4c: {  	_ =	shalt  }

</sc_bundles>
